<compile_context>
chip_gen: v7x
topology: tpu7x:2x2x1
jax: 0.10.2.dev20260603
libtpu: 0.0.44.dev20260713+nightly
codegen_flags: <defaults>
</compile_context>

<pallas_src>
import jax
import jax.numpy as jnp
from jax import lax
from jax.experimental import pallas as pl
from jax.experimental.pallas import tpu as pltpu
from jax.experimental.pallas import tpu_sc as plsc

N = 2048
E = 32768
S = 2
BLK = 256
NBLK = N // BLK
EDGE_CHUNK = 2048
NCHUNK = E // EDGE_CHUNK
ROWS_PER_TILE = 32
NPASS = N // (32 * ROWS_PER_TILE)

NS_CAP = 38
NS_GOOD = 0.30
RICH_CAP = 80
POW_ITERS = 6
MT = 256


def _sc_count_body(src_hbm, dst_hbm, zeros_hbm, out_hbm, srcv, dstv, cnt):
    nc = 2
    wid = lax.axis_index("s") * nc + lax.axis_index("c")
    lane = lax.iota(jnp.int32, 16)
    ones16 = jnp.ones((16,), jnp.float32)

    for p in range(NPASS):
        base_row = p * (32 * ROWS_PER_TILE) + wid * ROWS_PER_TILE
        pltpu.sync_copy(zeros_hbm, cnt)

        def chunk_body(ch, _):
            pltpu.sync_copy(src_hbm.at[pl.ds(ch * EDGE_CHUNK, EDGE_CHUNK)], srcv)
            pltpu.sync_copy(dst_hbm.at[pl.ds(ch * EDGE_CHUNK, EDGE_CHUNK)], dstv)

            def vec_body(i, _):
                d16 = dstv[pl.ds(i * 16, 16)]
                s16 = srcv[pl.ds(i * 16, 16)]
                rel = d16 - base_row
                inr = (rel >= 0) & (rel < ROWS_PER_TILE)
                flat = jnp.clip(rel, 0, ROWS_PER_TILE - 1) * N + s16
                for l in range(16):
                    m = inr & (lane == l)
                    plsc.addupdate_scatter(cnt, [flat], ones16, mask=m)
                return 0

            lax.fori_loop(0, EDGE_CHUNK // 16, vec_body, 0)
            return 0

        lax.fori_loop(0, NCHUNK, chunk_body, 0)
        pltpu.sync_copy(cnt, out_hbm.at[pl.ds(base_row * N, ROWS_PER_TILE * N)])


@jax.jit
def _sc_count_matrix(src_i32, dst_i32, zeros_tile):
    mesh = plsc.VectorSubcoreMesh(core_axis_name="c", subcore_axis_name="s")
    flat = pl.kernel(
        _sc_count_body,
        out_type=jax.ShapeDtypeStruct((N * N,), jnp.float32),
        mesh=mesh,
        compiler_params=pltpu.CompilerParams(needs_layout_passes=False),
        scratch_types=[
            pltpu.VMEM((EDGE_CHUNK,), jnp.int32),
            pltpu.VMEM((EDGE_CHUNK,), jnp.int32),
            pltpu.VMEM((ROWS_PER_TILE * N,), jnp.float32),
        ],
    )(src_i32, dst_i32, zeros_tile)
    return flat.reshape(N, N)


def _gat_layer_body(x_ref, xb_ref, c_ref, w_ref, asrc_ref, adst_ref, b_ref,
                    o_ref):
    i = pl.program_id(0)
    h = jnp.dot(x_ref[...], w_ref[...], preferred_element_type=jnp.float32)
    s_col = jnp.dot(h, asrc_ref[...], preferred_element_type=jnp.float32)
    hb = jnp.dot(xb_ref[...], w_ref[...], preferred_element_type=jnp.float32)
    t_col = jnp.dot(hb, adst_ref[...], preferred_element_type=jnp.float32)
    ones_col = jnp.ones((BLK, 1), jnp.float32)
    s_row = lax.dot_general(ones_col, s_col, (((1,), (1,)), ((), ())),
                            preferred_element_type=jnp.float32)
    e = s_row + jnp.broadcast_to(t_col, (BLK, N))
    e = jnp.where(e > 0, e, 0.2 * e)
    rows = i * BLK + lax.broadcasted_iota(jnp.int32, (BLK, N), 0)
    cols = lax.broadcasted_iota(jnp.int32, (BLK, N), 1)
    cb = c_ref[...] + jnp.where(rows == cols, 1.0, 0.0)
    mask = cb > 0
    m = jnp.max(jnp.where(mask, e, -1e30), axis=1, keepdims=True)
    ex = cb * jnp.exp(jnp.minimum(e - m, 0.0))
    den = jnp.sum(ex, axis=1, keepdims=True)
    coef = ex / (den + 1e-16)
    o_ref[...] = (jnp.dot(coef, h, preferred_element_type=jnp.float32)
                  + b_ref[...])


def _gat_layer(x, c, p):
    din = x.shape[1]
    dout = p["W"].shape[1]
    return pl.pallas_call(
        _gat_layer_body,
        grid=(NBLK,),
        in_specs=[
            pl.BlockSpec((N, din), lambda i: (0, 0)),
            pl.BlockSpec((BLK, din), lambda i: (i, 0)),
            pl.BlockSpec((BLK, N), lambda i: (i, 0)),
            pl.BlockSpec((din, dout), lambda i: (0, 0)),
            pl.BlockSpec((dout, 1), lambda i: (0, 0)),
            pl.BlockSpec((dout, 1), lambda i: (0, 0)),
            pl.BlockSpec((1, dout), lambda i: (0, 0)),
        ],
        out_specs=pl.BlockSpec((BLK, dout), lambda i: (i, 0)),
        out_shape=jax.ShapeDtypeStruct((N, dout), jnp.float32),
    )(x, x, c, p["W"], p["a_src"][:, None], p["a_dst"][:, None], p["b"][None, :])


def _linear_body(x_ref, w_ref, b_ref, o_ref):
    o_ref[...] = (jnp.dot(x_ref[...], w_ref[...],
                          preferred_element_type=jnp.float32) + b_ref[...])


def _linear(x, p):
    dout = p["W"].shape[1]
    return pl.pallas_call(
        _linear_body,
        out_shape=jax.ShapeDtypeStruct((N, dout), jnp.float32),
    )(x, p["W"], p["b"][None, :])


def _colmax_body(x_ref, o_ref):
    o_ref[...] = jnp.max(x_ref[...], axis=0, keepdims=True)


def _colmax(x):
    return pl.pallas_call(
        _colmax_body,
        out_shape=jax.ShapeDtypeStruct((1, x.shape[1]), jnp.float32),
    )(x)


def _rowsum_body(w_ref, o_ref):
    o_ref[...] = jnp.sum(w_ref[0], axis=1, keepdims=True)[None]


def _rowsums(w):
    return pl.pallas_call(
        _rowsum_body,
        grid=(S, NBLK),
        in_specs=[pl.BlockSpec((1, BLK, N), lambda s, i: (s, i, 0))],
        out_specs=pl.BlockSpec((1, BLK, 1), lambda s, i: (s, i, 0)),
        out_shape=jax.ShapeDtypeStruct((S, N, 1), jnp.float32),
    )(w)


def _bbuild_body(w_ref, u_ref, bf_ref, bb_ref):
    i = pl.program_id(1)
    rows = i * BLK + lax.broadcasted_iota(jnp.int32, (BLK, N), 0)
    cols = lax.broadcasted_iota(jnp.int32, (BLK, N), 1)
    eye = jnp.where(rows == cols, 1.0, 0.0)
    b = eye - w_ref[0] - jnp.broadcast_to(u_ref[0], (BLK, N))
    bf_ref[...] = b[None]
    bb_ref[...] = b[None].astype(jnp.bfloat16)


def _bbuild(w, u_vec):
    return pl.pallas_call(
        _bbuild_body,
        grid=(S, NBLK),
        in_specs=[
            pl.BlockSpec((1, BLK, N), lambda s, i: (s, i, 0)),
            pl.BlockSpec((1, BLK, 1), lambda s, i: (s, i, 0)),
        ],
        out_specs=[
            pl.BlockSpec((1, BLK, N), lambda s, i: (s, i, 0)),
            pl.BlockSpec((1, BLK, N), lambda s, i: (s, i, 0)),
        ],
        out_shape=[
            jax.ShapeDtypeStruct((S, N, N), jnp.float32),
            jax.ShapeDtypeStruct((S, N, N), jnp.bfloat16),
        ],
    )(w, u_vec)


def _m0_body(bb_ref, bt_ref, m0_ref):
    bb = bb_ref[...]
    bt = bt_ref[...]
    ii = lax.broadcasted_iota(jnp.int32, (1, N), 1)
    v = (1.0 + (ii % 37).astype(jnp.float32) / 37.0) * jnp.where(
        ii % 2 == 0, 1.0, -1.0)

    def body(_, v):
        y = jnp.dot(v.astype(jnp.bfloat16), bb,
                    preferred_element_type=jnp.float32)
        v2 = jnp.dot(y.astype(jnp.bfloat16), bt,
                     preferred_element_type=jnp.float32)
        return v2 * lax.rsqrt(jnp.sum(v2 * v2) + 1e-30)

    v = lax.fori_loop(0, POW_ITERS, body, v)
    y = jnp.dot(v.astype(jnp.bfloat16), bb,
                preferred_element_type=jnp.float32)
    sig2 = jnp.sum(y * y) / (jnp.sum(v * v) + 1e-30)
    inv_c0 = (1.0 / (1.35 * sig2)).astype(jnp.bfloat16)
    m0_ref[...] = bt * inv_c0


def _m0_from_bt(bb_s, bt_s):
    return pl.pallas_call(
        _m0_body,
        out_shape=jax.ShapeDtypeStruct((N, N), jnp.bfloat16),
    )(bb_s, bt_s)


def _matmul_body(a_ref, b_ref, o_ref):
    o_ref[...] = jnp.dot(a_ref[...], b_ref[...].astype(jnp.bfloat16),
                         preferred_element_type=jnp.float32)


def _bmatmul1(a, b):
    return pl.pallas_call(
        _matmul_body,
        grid=(N // MT, N // MT),
        in_specs=[
            pl.BlockSpec((MT, N), lambda i, j: (i, 0)),
            pl.BlockSpec((N, MT), lambda i, j: (0, j)),
        ],
        out_specs=pl.BlockSpec((MT, MT), lambda i, j: (i, j)),
        out_shape=jax.ShapeDtypeStruct((N, N), jnp.float32),
    )(a, b)


def _ns_update_body(m_ref, mrow_ref, t_ref, o_ref):
    prod = jnp.dot(mrow_ref[...].astype(jnp.bfloat16),
                   t_ref[...].astype(jnp.bfloat16),
                   preferred_element_type=jnp.float32)
    o_ref[...] = 2.0 * m_ref[...] - prod


def _ns_update1(m, t):
    return pl.pallas_call(
        _ns_update_body,
        grid=(N // MT, N // MT),
        in_specs=[
            pl.BlockSpec((MT, MT), lambda i, j: (i, j)),
            pl.BlockSpec((MT, N), lambda i, j: (i, 0)),
            pl.BlockSpec((N, MT), lambda i, j: (0, j)),
        ],
        out_specs=pl.BlockSpec((MT, MT), lambda i, j: (i, j)),
        out_shape=jax.ShapeDtypeStruct((N, N), jnp.float32),
    )(m, m, t)


def _probe_body(t_ref, z_ref, zo_ref, r_ref):
    z = z_ref[...]
    zr = z - jnp.dot(z, t_ref[...], preferred_element_type=jnp.float32)
    nrm = jnp.sqrt(jnp.sum(zr * zr, axis=1, keepdims=True))
    r_ref[...] = nrm
    zo_ref[...] = zr / (nrm + 1e-30)


def _probe(t, z):
    return pl.pallas_call(
        _probe_body,
        out_shape=[
            jax.ShapeDtypeStruct((1, N), jnp.float32),
            jax.ShapeDtypeStruct((1, 1), jnp.float32),
        ],
    )(t, z)


def _ns_solve_m(bb_s, m0_s, z0):

    def cond(c):
        it, stop, score_best = c[0], c[1], c[6]
        return (it < NS_CAP) & (~stop) & (score_best > NS_GOOD)

    def body(c):
        it, stop, m_cur, m_best, z, rho_prev, score_best = c
        t = _bmatmul1(bb_s, m_cur)
        z_new, rho2d = _probe(t, z)
        rho = rho2d[0, 0]
        score = jnp.maximum(rho, rho_prev)
        better = (it >= 2) & (score <= score_best)
        m_best = jnp.where(better, m_cur, m_best)
        score_best = jnp.where(better, score, score_best)
        cliff = rho > 1.5
        m_next = _ns_update1(m_cur, t)
        return (it + 1, cliff, m_next, m_best, z_new, rho, score_best)

    init = (jnp.int32(0), jnp.bool_(False), m0_s, m0_s, z0,
            jnp.float32(1e30), jnp.float32(1e30))
    out = lax.while_loop(cond, body, init)
    return out[3]


def _solve_body(bf_ref, m_ref, su_ref, uvec_ref,
                w1_ref, b1_ref, w2_ref, b2_ref, x_ref):
    alpha = jnp.dot(w1_ref[...], w2_ref[...],
                    preferred_element_type=jnp.float32)
    beta = jnp.dot(b1_ref[...], w2_ref[...],
                   preferred_element_type=jnp.float32)
    b_mat = bf_ref[...]
    m_mat = m_ref[...]
    rhs_top = alpha * su_ref[...] + beta
    rhs = jnp.concatenate([rhs_top, jnp.ones((1, N), jnp.float32)], axis=0)
    p0 = jnp.dot(rhs.astype(jnp.bfloat16), m_mat,
                 preferred_element_type=jnp.float32)
    rhs_sq = jnp.sum(rhs * rhs)

    def cond(c):
        it, _, res_sq, prev_sq = c
        return ((it < RICH_CAP) & (res_sq > 1e-10 * rhs_sq)
                & (res_sq < prev_sq))

    def body(c):
        it, p, res_sq, _ = c
        resid = rhs - jnp.dot(p, b_mat, preferred_element_type=jnp.float32)
        p = p + jnp.dot(resid.astype(jnp.bfloat16), m_mat,
                        preferred_element_type=jnp.float32)
        return (it + 1, p, jnp.sum(resid * resid), res_sq)

    _, p, _, _ = lax.while_loop(
        cond, body, (jnp.int32(0), p0, jnp.float32(1.0), jnp.float32(2.0)))
    pu = jnp.dot(p, uvec_ref[...], preferred_element_type=jnp.float32)
    num = pu[0:1, 0:1]
    den = 1.0 + pu[1:2, 0:1]
    x = p[0:1, :] - (num / den) * p[1:2, :]
    x_ref[...] = x + b2_ref[...]


def _solve(bf_s, m_s, su_row_s, u_vec_s, params):
    d1 = params["dec1"]
    d2 = params["dec2"]
    return pl.pallas_call(
        _solve_body,
        out_shape=jax.ShapeDtypeStruct((1, N), jnp.float32),
    )(bf_s, m_s, su_row_s, u_vec_s, d1["W"], d1["b"][None, :], d2["W"],
      d2["b"][None, :])


def _gat_xla(x, src, dst, p):
    h = x @ p["W"]
    e = h[src] @ p["a_src"] + h[dst] @ p["a_dst"]
    e = jnp.where(e > 0, e, 0.2 * e)
    m = jax.ops.segment_max(e, dst, num_segments=N)
    ex = jnp.exp(e - m[dst])
    den = jax.ops.segment_sum(ex, dst, num_segments=N)
    c = ex / (den[dst] + 1e-16)
    return jax.ops.segment_sum(c[:, None] * h[src], dst, num_segments=N) + p["b"]


def kernel(X, adj, adj_direct, tau, params):
    loops = jnp.arange(N, dtype=adj.dtype)
    src_full = jnp.concatenate([adj[0], loops])
    dst_full = jnp.concatenate([adj[1], loops])
    hidden = _gat_xla(X, src_full, dst_full, params["gnn1"])
    hidden = _gat_xla(hidden, src_full, dst_full, params["gnn2"])

    src32 = adj[0].astype(jnp.int32)
    dst32 = adj[1].astype(jnp.int32)
    zeros_tile = jnp.zeros((ROWS_PER_TILE * N,), jnp.float32)
    C = _sc_count_matrix(src32, dst32, zeros_tile)

    nu = _gat_xla(hidden, src_full, dst_full, params["node1"])
    nu = _gat_xla(nu, src_full, dst_full, params["node2"])
    nu = nu @ params["node_lin"]["W"] + params["node_lin"]["b"]
    u_mean = nu[:, 0:1]
    u_logstd = nu[:, 1:2]

    ew = _gat_xla(hidden, src_full, dst_full, params["edge1"])
    ew = _gat_xla(ew, src_full, dst_full, params["edge2"])
    edge_logit_W = ew @ params["edge_lin"]["W"] + params["edge_lin"]["b"]

    Z = _gat_layer(hidden, C, params["graph1"])
    Z = _gat_layer(Z, C, params["graph2"])
    Zl = _linear(Z, params["graph_lin"])
    Zm = _colmax(Zl)
    z_mean = Zm[0, 0]
    z_logstd = Zm[0, 1]

    nkey = jax.random.key(42)
    k1, k2, k3 = jax.random.split(nkey, 3)
    eps = jax.random.normal(k1, (S, N, 1), jnp.float32)
    sampled_u = eps * jnp.exp(0.5 * u_logstd)[None] + u_mean[None]
    probs = jax.nn.sigmoid(edge_logit_W)
    P = probs @ probs.T
    epsc = 1e-10
    logits = jnp.log(P + epsc) - jnp.log(1.0 - P + epsc)
    u1 = jax.random.uniform(k2, (S, N, N), jnp.float32, 1e-8, 1.0)
    u2 = jax.random.uniform(k3, (S, N, N), jnp.float32, 1e-8, 1.0)
    g = logits[None] - jnp.log(-jnp.log(u1)) + jnp.log(-jnp.log(u2))
    Y = jax.nn.sigmoid(g / jnp.asarray(tau, jnp.float32))
    w = Y * adj_direct[None]

    I = jnp.eye(N, dtype=jnp.float32)

    def _dec(w_i, u_i):
        M = jnp.linalg.inv(I - w_i.T)
        d = M @ (u_i @ params["dec1"]["W"] + params["dec1"]["b"])
        return d @ params["dec2"]["W"] + params["dec2"]["b"]

    x_recon = jax.vmap(_dec)(w, sampled_u)

    return (x_recon, edge_logit_W, z_mean, z_logstd, u_mean, u_logstd,
            params["logit_pai"])

# --- scband reference (transcript-rebuilt; emitter-appended) ---
"""Pipeline reference for scband-deep-ite-16329465659927 (READ-ONLY COPY).

The authoritative reference and input builder live on the scoring server;
editing this copy changes nothing except your own understanding.
"""

import jax, jax.numpy as jnp
import numpy as np

N = 2048
E = 32768
IN_DIM = 1
H1 = 128
H2 = 64
S = 2

def _gat_params(key, din, dout):
    k1, k2, k3 = jax.random.split(key, 3)
    return {"W": jax.random.normal(k1, (din, dout), jnp.float32) * 0.1,
            "a_src": jax.random.normal(k2, (dout,), jnp.float32) * 0.1,
            "a_dst": jax.random.normal(k3, (dout,), jnp.float32) * 0.1,
            "b": jnp.zeros((dout,), jnp.float32)}

def _lin_params(key, din, dout):
    return {"W": jax.random.normal(key, (din, dout), jnp.float32) * 0.1,
            "b": jnp.zeros((dout,), jnp.float32)}

def setup_inputs(seed: int = 0):
    key = jax.random.key(seed)
    ks = jax.random.split(key, 20)
    X = jax.random.normal(ks[0], (N, IN_DIM), jnp.float32)
    adj = jax.random.randint(ks[1], (2, E), 0, N).astype(jnp.int64)
    adj_direct = jax.random.uniform(ks[2], (N, N), dtype=jnp.float32)
    params = {
        "gnn1": _gat_params(ks[3], IN_DIM, H1),
        "gnn2": _gat_params(ks[4], H1, H1),
        "node1": _gat_params(ks[5], H1, H1),
        "node2": _gat_params(ks[6], H1, H1),
        "node_lin": _lin_params(ks[7], H1, 2),
        "edge1": _gat_params(ks[8], H1, H1),
        "edge2": _gat_params(ks[9], H1, H1),
        "edge_lin": _lin_params(ks[10], H1, 1),
        "graph1": _gat_params(ks[11], H1, H2),
        "graph2": _gat_params(ks[12], H2, H2),
        "graph_lin": _lin_params(ks[13], H2, 2),
        "dec1": _lin_params(ks[14], IN_DIM, H1),
        "dec2": _lin_params(ks[15], H1, IN_DIM),
        "logit_pai": jnp.array([0.0], jnp.float32),
    }
    return {"X": X, "adj": adj, "adj_direct": adj_direct, "tau": 1, "params": params}

def _leaky(x):
    return jnp.where(x > 0, x, 0.2 * x)

def _gat(x, src, dst, p):
    h = x @ p["W"]
    e = _leaky(h[src] @ p["a_src"] + h[dst] @ p["a_dst"])
    m = jax.ops.segment_max(e, dst, num_segments=N)
    ex = jnp.exp(e - m[dst])
    den = jax.ops.segment_sum(ex, dst, num_segments=N)
    c = ex / (den[dst] + 1e-16)
    return jax.ops.segment_sum(c[:, None] * h[src], dst, num_segments=N) + p["b"]

def _forward(X, adj_direct, params, adj, tau):
    loops = jnp.arange(N, dtype=adj.dtype)
    src = jnp.concatenate([adj[0], loops])
    dst = jnp.concatenate([adj[1], loops])
    hidden = _gat(X, src, dst, params["gnn1"])
    hidden = _gat(hidden, src, dst, params["gnn2"])
    nu = _gat(hidden, src, dst, params["node1"])
    nu = _gat(nu, src, dst, params["node2"])
    nu = nu @ params["node_lin"]["W"] + params["node_lin"]["b"]
    u_mean = nu[:, 0:1]
    u_logstd = nu[:, 1:2]
    nkey = jax.random.key(42)
    k1, k2, k3 = jax.random.split(nkey, 3)
    eps = jax.random.normal(k1, (S, N, 1), jnp.float32)
    sampled_u = eps * jnp.exp(0.5 * u_logstd)[None] + u_mean[None]
    ew = _gat(hidden, src, dst, params["edge1"])
    ew = _gat(ew, src, dst, params["edge2"])
    edge_logit_W = ew @ params["edge_lin"]["W"] + params["edge_lin"]["b"]
    probs = jax.nn.sigmoid(edge_logit_W)
    P = probs @ probs.T
    epsc = 1e-10
    logits = jnp.log(P + epsc) - jnp.log(1.0 - P + epsc)
    u1 = jax.random.uniform(k2, (S, N, N), jnp.float32, 1e-8, 1.0)
    u2 = jax.random.uniform(k3, (S, N, N), jnp.float32, 1e-8, 1.0)
    g = logits[None] - jnp.log(-jnp.log(u1)) + jnp.log(-jnp.log(u2))
    Y = jax.nn.sigmoid(g / jnp.asarray(tau, jnp.float32))
    Z = _gat(hidden, src, dst, params["graph1"])
    Z = _gat(Z, src, dst, params["graph2"])
    Z = Z @ params["graph_lin"]["W"] + params["graph_lin"]["b"]
    Zm = jnp.max(Z, axis=0)
    z_mean = Zm[0]
    z_logstd = Zm[1]
    w = Y * adj_direct[None]
    I = jnp.eye(N, dtype=jnp.float32)
    def _dec(w_i, u_i):
        M = jnp.linalg.inv(I - w_i.T)
        d = M @ (u_i @ params["dec1"]["W"] + params["dec1"]["b"])
        return d @ params["dec2"]["W"] + params["dec2"]["b"]
    x_recon = jax.vmap(_dec)(w, sampled_u)
    return (x_recon, edge_logit_W, z_mean, z_logstd, u_mean, u_logstd, params["logit_pai"])

def reference(X, adj, adj_direct, tau, params):
    return _forward(X, adj_direct, params, adj, tau)

if __name__ == "__main__":
    import jax
    _d = setup_inputs()
    print(jax.jit(kernel)(*tuple(_d.values())))

</pallas_src>

<mosaic_0001>
#map = affine_map<(d0, d1) -> (0)>
module attributes {stable_mosaic.version = 14 : i64} {
  func.func @_sc_count_body(%arg0: i32, %arg1: i32, %arg2: memref<32768xi32, #tpu.memory_space<hbm>>, %arg3: memref<32768xi32, #tpu.memory_space<hbm>>, %arg4: memref<65536xf32, #tpu.memory_space<hbm>>, %arg5: memref<4194304xf32, #tpu.memory_space<hbm>>, %arg6: memref<2048xi32, #tpu.memory_space<vmem>>, %arg7: memref<2048xi32, #tpu.memory_space<vmem>>, %arg8: memref<65536xf32, #tpu.memory_space<vmem>>) attributes {dimension_semantics = [#tpu.dimension_semantics<core_parallel>, #tpu.dimension_semantics<subcore_parallel>], iteration_bounds = array<i64: 2, 16>, scalar_prefetch = 0 : i64, scratch_operands = 3 : i64, tpu.core_type = #tpu.core_type<sc_vector_subcore>, window_params = [{transform_indices = #map}, {transform_indices = #map}, {transform_indices = #map}, {transform_indices = #map}]} {
    %mul3A = arith.constant 2 : i32
    %mul3A_0 = arith.muli %arg1, %mul3A : i32
    %add3A = arith.addi %mul3A_0, %arg0 : i32
    %iota3A = tpu.iota {dimensions = array<i32: 0>} : vector<16xi32>
    %broadcast_in_dim3A = arith.constant 1.000000e+00 : f32
    %broadcast_in_dim3A_1 = vector.broadcast %broadcast_in_dim3A : f32 to vector<16xf32>
    %mul3A_2 = arith.constant 32 : i32
    %mul3A_3 = arith.muli %add3A, %mul3A_2 : i32
    %add3A_4 = arith.constant 0 : i32
    %add3A_5 = arith.addi %add3A_4, %mul3A_3 : i32
    "tpu.region"() ({
      %run_scoped3A = tpu.sem_alloc : memref<!tpu.dma_semaphore, #tpu.memory_space<semaphore_mem>>
      tpu.enqueue_dma source(%arg4 : memref<65536xf32, #tpu.memory_space<hbm>>) target(%arg8 : memref<65536xf32, #tpu.memory_space<vmem>>) target_semaphore(%run_scoped3A : memref<!tpu.dma_semaphore, #tpu.memory_space<semaphore_mem>>)
      tpu.wait_dma2 semaphore(%run_scoped3A : memref<!tpu.dma_semaphore, #tpu.memory_space<semaphore_mem>>) src(%arg4 : memref<65536xf32, #tpu.memory_space<hbm>>) dst(%arg8 : memref<65536xf32, #tpu.memory_space<vmem>>)
      tpu.yield
    }) : () -> ()
    %scan3A = arith.constant 0 : i32
    %scan3A_6 = arith.constant 0 : i32
    %scan3A_7 = arith.constant 16 : i32
    %scan3A_8 = arith.addi %scan3A_6, %scan3A_7 : i32
    %scan3A_9 = arith.constant 1 : i32
    %scan3A_10 = scf.for %scan3A_27 = %scan3A_6 to %scan3A_8 step %scan3A_9 iter_args(%scan3A_28 = %scan3A) -> (i32)  : i32 {
      %mul3A_29 = arith.constant 2048 : i32
      %mul3A_30 = arith.muli %scan3A_27, %mul3A_29 : i32
      "tpu.region"() ({
        %run_scoped3A = tpu.sem_alloc : memref<!tpu.dma_semaphore, #tpu.memory_space<semaphore_mem>>
        %dma_start3A = tpu.memref_slice %arg2[%mul3A_30] : memref<32768xi32, #tpu.memory_space<hbm>> -> memref<2048xi32, #tpu.memory_space<hbm>>
        %dma_start3A_41 = tpu.memref_slice %arg2[%mul3A_30] : memref<32768xi32, #tpu.memory_space<hbm>> -> memref<2048xi32, #tpu.memory_space<hbm>>
        tpu.enqueue_dma source(%dma_start3A_41 : memref<2048xi32, #tpu.memory_space<hbm>>) target(%arg6 : memref<2048xi32, #tpu.memory_space<vmem>>) target_semaphore(%run_scoped3A : memref<!tpu.dma_semaphore, #tpu.memory_space<semaphore_mem>>)
        %dma_wait3A = tpu.memref_slice %arg2[%mul3A_30] : memref<32768xi32, #tpu.memory_space<hbm>> -> memref<2048xi32, #tpu.memory_space<hbm>>
        %dma_wait3A_42 = tpu.memref_slice %arg2[%mul3A_30] : memref<32768xi32, #tpu.memory_space<hbm>> -> memref<2048xi32, #tpu.memory_space<hbm>>
        tpu.wait_dma2 semaphore(%run_scoped3A : memref<!tpu.dma_semaphore, #tpu.memory_space<semaphore_mem>>) src(%dma_wait3A_42 : memref<2048xi32, #tpu.memory_space<hbm>>) dst(%arg6 : memref<2048xi32, #tpu.memory_space<vmem>>)
        tpu.yield
      }) : () -> ()
      %mul3A_31 = arith.constant 2048 : i32
      %mul3A_32 = arith.muli %scan3A_27, %mul3A_31 : i32
      "tpu.region"() ({
        %run_scoped3A = tpu.sem_alloc : memref<!tpu.dma_semaphore, #tpu.memory_space<semaphore_mem>>
        %dma_start3A = tpu.memref_slice %arg3[%mul3A_32] : memref<32768xi32, #tpu.memory_space<hbm>> -> memref<2048xi32, #tpu.memory_space<hbm>>
        %dma_start3A_41 = tpu.memref_slice %arg3[%mul3A_32] : memref<32768xi32, #tpu.memory_space<hbm>> -> memref<2048xi32, #tpu.memory_space<hbm>>
        tpu.enqueue_dma source(%dma_start3A_41 : memref<2048xi32, #tpu.memory_space<hbm>>) target(%arg7 : memref<2048xi32, #tpu.memory_space<vmem>>) target_semaphore(%run_scoped3A : memref<!tpu.dma_semaphore, #tpu.memory_space<semaphore_mem>>)
        %dma_wait3A = tpu.memref_slice %arg3[%mul3A_32] : memref<32768xi32, #tpu.memory_space<hbm>> -> memref<2048xi32, #tpu.memory_space<hbm>>
        %dma_wait3A_42 = tpu.memref_slice %arg3[%mul3A_32] : memref<32768xi32, #tpu.memory_space<hbm>> -> memref<2048xi32, #tpu.memory_space<hbm>>
        tpu.wait_dma2 semaphore(%run_scoped3A : memref<!tpu.dma_semaphore, #tpu.memory_space<semaphore_mem>>) src(%dma_wait3A_42 : memref<2048xi32, #tpu.memory_space<hbm>>) dst(%arg7 : memref<2048xi32, #tpu.memory_space<vmem>>)
        tpu.yield
      }) : () -> ()
      %scan3A_33 = arith.constant 0 : i32
      %scan3A_34 = arith.constant 0 : i32
      %scan3A_35 = arith.constant 128 : i32
      %scan3A_36 = arith.addi %scan3A_34, %scan3A_35 : i32
      %scan3A_37 = arith.constant 1 : i32
      %scan3A_38 = scf.for %scan3A_41 = %scan3A_34 to %scan3A_36 step %scan3A_37 iter_args(%scan3A_42 = %scan3A_33) -> (i32)  : i32 {
        %mul3A_43 = arith.constant 16 : i32
        %mul3A_44 = arith.muli %scan3A_41, %mul3A_43 : i32
        %get3A = arith.index_cast %mul3A_44 : i32 to index
        %get3A_45 = tpu.vector_load %arg7[%get3A] {strides = array<i32>} : memref<2048xi32, #tpu.memory_space<vmem>>, vector<16xi32>,
        %mul3A_46 = arith.constant 16 : i32
        %mul3A_47 = arith.muli %scan3A_41, %mul3A_46 : i32
        %get3A_48 = arith.index_cast %mul3A_47 : i32 to index
        %get3A_49 = tpu.vector_load %arg6[%get3A_48] {strides = array<i32>} : memref<2048xi32, #tpu.memory_space<vmem>>, vector<16xi32>,
        %sub3A = vector.broadcast %add3A_5 : i32 to vector<16xi32>
        %sub3A_50 = arith.subi %get3A_45, %sub3A : vector<16xi32>
        %ge3A = arith.constant 0 : i32
        %ge3A_51 = vector.broadcast %ge3A : i32 to vector<16xi32>
        %ge3A_52 = arith.cmpi sge, %sub3A_50, %ge3A_51 : vector<16xi32>
        %lt3A = arith.constant 32 : i32
        %lt3A_53 = vector.broadcast %lt3A : i32 to vector<16xi32>
        %lt3A_54 = arith.cmpi slt, %sub3A_50, %lt3A_53 : vector<16xi32>
        %and3A = arith.andi %ge3A_52, %lt3A_54 : vector<16xi1>
        %jit3A = arith.constant 0 : i32
        %jit3A_55 = arith.constant 31 : i32
        %max3A = vector.broadcast %jit3A : i32 to vector<16xi32>
        %max3A_56 = arith.maxsi %max3A, %sub3A_50 : vector<16xi32>
        %min3A = vector.broadcast %jit3A_55 : i32 to vector<16xi32>
        %min3A_57 = arith.minsi %min3A, %max3A_56 : vector<16xi32>
        %mul3A_58 = arith.constant 2048 : i32
        %mul3A_59 = vector.broadcast %mul3A_58 : i32 to vector<16xi32>
        %mul3A_60 = arith.muli %min3A_57, %mul3A_59 : vector<16xi32>
        %add3A_61 = arith.addi %mul3A_60, %get3A_49 : vector<16xi32>
        %eq3A = arith.constant 0 : i32
        %eq3A_62 = vector.broadcast %eq3A : i32 to vector<16xi32>
        %eq3A_63 = arith.cmpi eq, %iota3A, %eq3A_62 : vector<16xi32>
        %and3A_64 = arith.andi %and3A, %eq3A_63 : vector<16xi1>
        tpu.vector_store_idx %arg8[%add3A_61], %broadcast_in_dim3A_1 masked %and3A_64 {add = true} : memref<65536xf32, #tpu.memory_space<vmem>>[vector<16xi32>], vector<16xf32>, vector<16xi1>
        %eq3A_65 = arith.constant 1 : i32
        %eq3A_66 = vector.broadcast %eq3A_65 : i32 to vector<16xi32>
        %eq3A_67 = arith.cmpi eq, %iota3A, %eq3A_66 : vector<16xi32>
        %and3A_68 = arith.andi %and3A, %eq3A_67 : vector<16xi1>
        tpu.vector_store_idx %arg8[%add3A_61], %broadcast_in_dim3A_1 masked %and3A_68 {add = true} : memref<65536xf32, #tpu.memory_space<vmem>>[vector<16xi32>], vector<16xf32>, vector<16xi1>
        %eq3A_69 = arith.constant 2 : i32
        %eq3A_70 = vector.broadcast %eq3A_69 : i32 to vector<16xi32>
        %eq3A_71 = arith.cmpi eq, %iota3A, %eq3A_70 : vector<16xi32>
        %and3A_72 = arith.andi %and3A, %eq3A_71 : vector<16xi1>
        tpu.vector_store_idx %arg8[%add3A_61], %broadcast_in_dim3A_1 masked %and3A_72 {add = true} : memref<65536xf32, #tpu.memory_space<vmem>>[vector<16xi32>], vector<16xf32>, vector<16xi1>
        %eq3A_73 = arith.constant 3 : i32
        %eq3A_74 = vector.broadcast %eq3A_73 : i32 to vector<16xi32>
        %eq3A_75 = arith.cmpi eq, %iota3A, %eq3A_74 : vector<16xi32>
        %and3A_76 = arith.andi %and3A, %eq3A_75 : vector<16xi1>
        tpu.vector_store_idx %arg8[%add3A_61], %broadcast_in_dim3A_1 masked %and3A_76 {add = true} : memref<65536xf32, #tpu.memory_space<vmem>>[vector<16xi32>], vector<16xf32>, vector<16xi1>
        %eq3A_77 = arith.constant 4 : i32
        %eq3A_78 = vector.broadcast %eq3A_77 : i32 to vector<16xi32>
        %eq3A_79 = arith.cmpi eq, %iota3A, %eq3A_78 : vector<16xi32>
        %and3A_80 = arith.andi %and3A, %eq3A_79 : vector<16xi1>
        tpu.vector_store_idx %arg8[%add3A_61], %broadcast_in_dim3A_1 masked %and3A_80 {add = true} : memref<65536xf32, #tpu.memory_space<vmem>>[vector<16xi32>], vector<16xf32>, vector<16xi1>
        %eq3A_81 = arith.constant 5 : i32
        %eq3A_82 = vector.broadcast %eq3A_81 : i32 to vector<16xi32>
        %eq3A_83 = arith.cmpi eq, %iota3A, %eq3A_82 : vector<16xi32>
        %and3A_84 = arith.andi %and3A, %eq3A_83 : vector<16xi1>
        tpu.vector_store_idx %arg8[%add3A_61], %broadcast_in_dim3A_1 masked %and3A_84 {add = true} : memref<65536xf32, #tpu.memory_space<vmem>>[vector<16xi32>], vector<16xf32>, vector<16xi1>
        %eq3A_85 = arith.constant 6 : i32
        %eq3A_86 = vector.broadcast %eq3A_85 : i32 to vector<16xi32>
        %eq3A_87 = arith.cmpi eq, %iota3A, %eq3A_86 : vector<16xi32>
        %and3A_88 = arith.andi %and3A, %eq3A_87 : vector<16xi1>
        tpu.vector_store_idx %arg8[%add3A_61], %broadcast_in_dim3A_1 masked %and3A_88 {add = true} : memref<65536xf32, #tpu.memory_space<vmem>>[vector<16xi32>], vector<16xf32>, vector<16xi1>
        %eq3A_89 = arith.constant 7 : i32
        %eq3A_90 = vector.broadcast %eq3A_89 : i32 to vector<16xi32>
        %eq3A_91 = arith.cmpi eq, %iota3A, %eq3A_90 : vector<16xi32>
        %and3A_92 = arith.andi %and3A, %eq3A_91 : vector<16xi1>
        tpu.vector_store_idx %arg8[%add3A_61], %broadcast_in_dim3A_1 masked %and3A_92 {add = true} : memref<65536xf32, #tpu.memory_space<vmem>>[vector<16xi32>], vector<16xf32>, vector<16xi1>
        %eq3A_93 = arith.constant 8 : i32
        %eq3A_94 = vector.broadcast %eq3A_93 : i32 to vector<16xi32>
        %eq3A_95 = arith.cmpi eq, %iota3A, %eq3A_94 : vector<16xi32>
        %and3A_96 = arith.andi %and3A, %eq3A_95 : vector<16xi1>
        tpu.vector_store_idx %arg8[%add3A_61], %broadcast_in_dim3A_1 masked %and3A_96 {add = true} : memref<65536xf32, #tpu.memory_space<vmem>>[vector<16xi32>], vector<16xf32>, vector<16xi1>
        %eq3A_97 = arith.constant 9 : i32
        %eq3A_98 = vector.broadcast %eq3A_97 : i32 to vector<16xi32>
        %eq3A_99 = arith.cmpi eq, %iota3A, %eq3A_98 : vector<16xi32>
        %and3A_100 = arith.andi %and3A, %eq3A_99 : vector<16xi1>
        tpu.vector_store_idx %arg8[%add3A_61], %broadcast_in_dim3A_1 masked %and3A_100 {add = true} : memref<65536xf32, #tpu.memory_space<vmem>>[vector<16xi32>], vector<16xf32>, vector<16xi1>
        %eq3A_101 = arith.constant 10 : i32
        %eq3A_102 = vector.broadcast %eq3A_101 : i32 to vector<16xi32>
        %eq3A_103 = arith.cmpi eq, %iota3A, %eq3A_102 : vector<16xi32>
        %and3A_104 = arith.andi %and3A, %eq3A_103 : vector<16xi1>
        tpu.vector_store_idx %arg8[%add3A_61], %broadcast_in_dim3A_1 masked %and3A_104 {add = true} : memref<65536xf32, #tpu.memory_space<vmem>>[vector<16xi32>], vector<16xf32>, vector<16xi1>
        %eq3A_105 = arith.constant 11 : i32
        %eq3A_106 = vector.broadcast %eq3A_105 : i32 to vector<16xi32>
        %eq3A_107 = arith.cmpi eq, %iota3A, %eq3A_106 : vector<16xi32>
        %and3A_108 = arith.andi %and3A, %eq3A_107 : vector<16xi1>
        tpu.vector_store_idx %arg8[%add3A_61], %broadcast_in_dim3A_1 masked %and3A_108 {add = true} : memref<65536xf32, #tpu.memory_space<vmem>>[vector<16xi32>], vector<16xf32>, vector<16xi1>
        %eq3A_109 = arith.constant 12 : i32
        %eq3A_110 = vector.broadcast %eq3A_109 : i32 to vector<16xi32>
        %eq3A_111 = arith.cmpi eq, %iota3A, %eq3A_110 : vector<16xi32>
        %and3A_112 = arith.andi %and3A, %eq3A_111 : vector<16xi1>
        tpu.vector_store_idx %arg8[%add3A_61], %broadcast_in_dim3A_1 masked %and3A_112 {add = true} : memref<65536xf32, #tpu.memory_space<vmem>>[vector<16xi32>], vector<16xf32>, vector<16xi1>
        %eq3A_113 = arith.constant 13 : i32
        %eq3A_114 = vector.broadcast %eq3A_113 : i32 to vector<16xi32>
        %eq3A_115 = arith.cmpi eq, %iota3A, %eq3A_114 : vector<16xi32>
        %and3A_116 = arith.andi %and3A, %eq3A_115 : vector<16xi1>
        tpu.vector_store_idx %arg8[%add3A_61], %broadcast_in_dim3A_1 masked %and3A_116 {add = true} : memref<65536xf32, #tpu.memory_space<vmem>>[vector<16xi32>], vector<16xf32>, vector<16xi1>
        %eq3A_117 = arith.constant 14 : i32
        %eq3A_118 = vector.broadcast %eq3A_117 : i32 to vector<16xi32>
        %eq3A_119 = arith.cmpi eq, %iota3A, %eq3A_118 : vector<16xi32>
        %and3A_120 = arith.andi %and3A, %eq3A_119 : vector<16xi1>
        tpu.vector_store_idx %arg8[%add3A_61], %broadcast_in_dim3A_1 masked %and3A_120 {add = true} : memref<65536xf32, #tpu.memory_space<vmem>>[vector<16xi32>], vector<16xf32>, vector<16xi1>
        %eq3A_121 = arith.constant 15 : i32
        %eq3A_122 = vector.broadcast %eq3A_121 : i32 to vector<16xi32>
        %eq3A_123 = arith.cmpi eq, %iota3A, %eq3A_122 : vector<16xi32>
        %and3A_124 = arith.andi %and3A, %eq3A_123 : vector<16xi1>
        tpu.vector_store_idx %arg8[%add3A_61], %broadcast_in_dim3A_1 masked %and3A_124 {add = true} : memref<65536xf32, #tpu.memory_space<vmem>>[vector<16xi32>], vector<16xf32>, vector<16xi1>
        %scan3A_125 = arith.constant 0 : i32
        scf.yield %scan3A_125 : i32
      }
      %scan3A_39 = arith.constant 128 : i32
      %scan3A_40 = arith.constant 0 : i32
      scf.yield %scan3A_40 : i32
    }
    %scan3A_11 = arith.constant 16 : i32
    %mul3A_12 = arith.constant 2048 : i32
    %mul3A_13 = arith.muli %add3A_5, %mul3A_12 : i32
    "tpu.region"() ({
      %run_scoped3A = tpu.sem_alloc : memref<!tpu.dma_semaphore, #tpu.memory_space<semaphore_mem>>
      %dma_start3A = tpu.memref_slice %arg5[%mul3A_13] : memref<4194304xf32, #tpu.memory_space<hbm>> -> memref<65536xf32, #tpu.memory_space<hbm>>
      %dma_start3A_27 = tpu.memref_slice %arg5[%mul3A_13] : memref<4194304xf32, #tpu.memory_space<hbm>> -> memref<65536xf32, #tpu.memory_space<hbm>>
      tpu.enqueue_dma source(%arg8 : memref<65536xf32, #tpu.memory_space<vmem>>) target(%dma_start3A_27 : memref<65536xf32, #tpu.memory_space<hbm>>) target_semaphore(%run_scoped3A : memref<!tpu.dma_semaphore, #tpu.memory_space<semaphore_mem>>)
      %dma_wait3A = tpu.memref_slice %arg5[%mul3A_13] : memref<4194304xf32, #tpu.memory_space<hbm>> -> memref<65536xf32, #tpu.memory_space<hbm>>
      %dma_wait3A_28 = tpu.memref_slice %arg5[%mul3A_13] : memref<4194304xf32, #tpu.memory_space<hbm>> -> memref<65536xf32, #tpu.memory_space<hbm>>
      tpu.wait_dma2 semaphore(%run_scoped3A : memref<!tpu.dma_semaphore, #tpu.memory_space<semaphore_mem>>) src(%arg8 : memref<65536xf32, #tpu.memory_space<vmem>>) dst(%dma_wait3A_28 : memref<65536xf32, #tpu.memory_space<hbm>>)
      tpu.yield
    }) : () -> ()
    %mul3A_14 = arith.constant 32 : i32
    %mul3A_15 = arith.muli %add3A, %mul3A_14 : i32
    %add3A_16 = arith.constant 1024 : i32
    %add3A_17 = arith.addi %add3A_16, %mul3A_15 : i32
    "tpu.region"() ({
      %run_scoped3A = tpu.sem_alloc : memref<!tpu.dma_semaphore, #tpu.memory_space<semaphore_mem>>
      tpu.enqueue_dma source(%arg4 : memref<65536xf32, #tpu.memory_space<hbm>>) target(%arg8 : memref<65536xf32, #tpu.memory_space<vmem>>) target_semaphore(%run_scoped3A : memref<!tpu.dma_semaphore, #tpu.memory_space<semaphore_mem>>)
      tpu.wait_dma2 semaphore(%run_scoped3A : memref<!tpu.dma_semaphore, #tpu.memory_space<semaphore_mem>>) src(%arg4 : memref<65536xf32, #tpu.memory_space<hbm>>) dst(%arg8 : memref<65536xf32, #tpu.memory_space<vmem>>)
      tpu.yield
    }) : () -> ()
    %scan3A_18 = arith.constant 0 : i32
    %scan3A_19 = arith.constant 0 : i32
    %scan3A_20 = arith.constant 16 : i32
    %scan3A_21 = arith.addi %scan3A_19, %scan3A_20 : i32
    %scan3A_22 = arith.constant 1 : i32
    %scan3A_23 = scf.for %scan3A_27 = %scan3A_19 to %scan3A_21 step %scan3A_22 iter_args(%scan3A_28 = %scan3A_18) -> (i32)  : i32 {
      %mul3A_29 = arith.constant 2048 : i32
      %mul3A_30 = arith.muli %scan3A_27, %mul3A_29 : i32
      "tpu.region"() ({
        %run_scoped3A = tpu.sem_alloc : memref<!tpu.dma_semaphore, #tpu.memory_space<semaphore_mem>>
        %dma_start3A = tpu.memref_slice %arg2[%mul3A_30] : memref<32768xi32, #tpu.memory_space<hbm>> -> memref<2048xi32, #tpu.memory_space<hbm>>
        %dma_start3A_41 = tpu.memref_slice %arg2[%mul3A_30] : memref<32768xi32, #tpu.memory_space<hbm>> -> memref<2048xi32, #tpu.memory_space<hbm>>
        tpu.enqueue_dma source(%dma_start3A_41 : memref<2048xi32, #tpu.memory_space<hbm>>) target(%arg6 : memref<2048xi32, #tpu.memory_space<vmem>>) target_semaphore(%run_scoped3A : memref<!tpu.dma_semaphore, #tpu.memory_space<semaphore_mem>>)
        %dma_wait3A = tpu.memref_slice %arg2[%mul3A_30] : memref<32768xi32, #tpu.memory_space<hbm>> -> memref<2048xi32, #tpu.memory_space<hbm>>
        %dma_wait3A_42 = tpu.memref_slice %arg2[%mul3A_30] : memref<32768xi32, #tpu.memory_space<hbm>> -> memref<2048xi32, #tpu.memory_space<hbm>>
        tpu.wait_dma2 semaphore(%run_scoped3A : memref<!tpu.dma_semaphore, #tpu.memory_space<semaphore_mem>>) src(%dma_wait3A_42 : memref<2048xi32, #tpu.memory_space<hbm>>) dst(%arg6 : memref<2048xi32, #tpu.memory_space<vmem>>)
        tpu.yield
      }) : () -> ()
      %mul3A_31 = arith.constant 2048 : i32
      %mul3A_32 = arith.muli %scan3A_27, %mul3A_31 : i32
      "tpu.region"() ({
        %run_scoped3A = tpu.sem_alloc : memref<!tpu.dma_semaphore, #tpu.memory_space<semaphore_mem>>
        %dma_start3A = tpu.memref_slice %arg3[%mul3A_32] : memref<32768xi32, #tpu.memory_space<hbm>> -> memref<2048xi32, #tpu.memory_space<hbm>>
        %dma_start3A_41 = tpu.memref_slice %arg3[%mul3A_32] : memref<32768xi32, #tpu.memory_space<hbm>> -> memref<2048xi32, #tpu.memory_space<hbm>>
        tpu.enqueue_dma source(%dma_start3A_41 : memref<2048xi32, #tpu.memory_space<hbm>>) target(%arg7 : memref<2048xi32, #tpu.memory_space<vmem>>) target_semaphore(%run_scoped3A : memref<!tpu.dma_semaphore, #tpu.memory_space<semaphore_mem>>)
        %dma_wait3A = tpu.memref_slice %arg3[%mul3A_32] : memref<32768xi32, #tpu.memory_space<hbm>> -> memref<2048xi32, #tpu.memory_space<hbm>>
        %dma_wait3A_42 = tpu.memref_slice %arg3[%mul3A_32] : memref<32768xi32, #tpu.memory_space<hbm>> -> memref<2048xi32, #tpu.memory_space<hbm>>
        tpu.wait_dma2 semaphore(%run_scoped3A : memref<!tpu.dma_semaphore, #tpu.memory_space<semaphore_mem>>) src(%dma_wait3A_42 : memref<2048xi32, #tpu.memory_space<hbm>>) dst(%arg7 : memref<2048xi32, #tpu.memory_space<vmem>>)
        tpu.yield
      }) : () -> ()
      %scan3A_33 = arith.constant 0 : i32
      %scan3A_34 = arith.constant 0 : i32
      %scan3A_35 = arith.constant 128 : i32
      %scan3A_36 = arith.addi %scan3A_34, %scan3A_35 : i32
      %scan3A_37 = arith.constant 1 : i32
      %scan3A_38 = scf.for %scan3A_41 = %scan3A_34 to %scan3A_36 step %scan3A_37 iter_args(%scan3A_42 = %scan3A_33) -> (i32)  : i32 {
        %mul3A_43 = arith.constant 16 : i32
        %mul3A_44 = arith.muli %scan3A_41, %mul3A_43 : i32
        %get3A = arith.index_cast %mul3A_44 : i32 to index
        %get3A_45 = tpu.vector_load %arg7[%get3A] {strides = array<i32>} : memref<2048xi32, #tpu.memory_space<vmem>>, vector<16xi32>,
        %mul3A_46 = arith.constant 16 : i32
        %mul3A_47 = arith.muli %scan3A_41, %mul3A_46 : i32
        %get3A_48 = arith.index_cast %mul3A_47 : i32 to index
        %get3A_49 = tpu.vector_load %arg6[%get3A_48] {strides = array<i32>} : memref<2048xi32, #tpu.memory_space<vmem>>, vector<16xi32>,
        %sub3A = vector.broadcast %add3A_17 : i32 to vector<16xi32>
        %sub3A_50 = arith.subi %get3A_45, %sub3A : vector<16xi32>
        %ge3A = arith.constant 0 : i32
        %ge3A_51 = vector.broadcast %ge3A : i32 to vector<16xi32>
        %ge3A_52 = arith.cmpi sge, %sub3A_50, %ge3A_51 : vector<16xi32>
        %lt3A = arith.constant 32 : i32
        %lt3A_53 = vector.broadcast %lt3A : i32 to vector<16xi32>
        %lt3A_54 = arith.cmpi slt, %sub3A_50, %lt3A_53 : vector<16xi32>
        %and3A = arith.andi %ge3A_52, %lt3A_54 : vector<16xi1>
        %jit3A = arith.constant 0 : i32
        %jit3A_55 = arith.constant 31 : i32
        %max3A = vector.broadcast %jit3A : i32 to vector<16xi32>
        %max3A_56 = arith.maxsi %max3A, %sub3A_50 : vector<16xi32>
        %min3A = vector.broadcast %jit3A_55 : i32 to vector<16xi32>
        %min3A_57 = arith.minsi %min3A, %max3A_56 : vector<16xi32>
        %mul3A_58 = arith.constant 2048 : i32
        %mul3A_59 = vector.broadcast %mul3A_58 : i32 to vector<16xi32>
        %mul3A_60 = arith.muli %min3A_57, %mul3A_59 : vector<16xi32>
        %add3A_61 = arith.addi %mul3A_60, %get3A_49 : vector<16xi32>
        %eq3A = arith.constant 0 : i32
        %eq3A_62 = vector.broadcast %eq3A : i32 to vector<16xi32>
        %eq3A_63 = arith.cmpi eq, %iota3A, %eq3A_62 : vector<16xi32>
        %and3A_64 = arith.andi %and3A, %eq3A_63 : vector<16xi1>
        tpu.vector_store_idx %arg8[%add3A_61], %broadcast_in_dim3A_1 masked %and3A_64 {add = true} : memref<65536xf32, #tpu.memory_space<vmem>>[vector<16xi32>], vector<16xf32>, vector<16xi1>
        %eq3A_65 = arith.constant 1 : i32
        %eq3A_66 = vector.broadcast %eq3A_65 : i32 to vector<16xi32>
        %eq3A_67 = arith.cmpi eq, %iota3A, %eq3A_66 : vector<16xi32>
        %and3A_68 = arith.andi %and3A, %eq3A_67 : vector<16xi1>
        tpu.vector_store_idx %arg8[%add3A_61], %broadcast_in_dim3A_1 masked %and3A_68 {add = true} : memref<65536xf32, #tpu.memory_space<vmem>>[vector<16xi32>], vector<16xf32>, vector<16xi1>
        %eq3A_69 = arith.constant 2 : i32
        %eq3A_70 = vector.broadcast %eq3A_69 : i32 to vector<16xi32>
        %eq3A_71 = arith.cmpi eq, %iota3A, %eq3A_70 : vector<16xi32>
        %and3A_72 = arith.andi %and3A, %eq3A_71 : vector<16xi1>
        tpu.vector_store_idx %arg8[%add3A_61], %broadcast_in_dim3A_1 masked %and3A_72 {add = true} : memref<65536xf32, #tpu.memory_space<vmem>>[vector<16xi32>], vector<16xf32>, vector<16xi1>
        %eq3A_73 = arith.constant 3 : i32
        %eq3A_74 = vector.broadcast %eq3A_73 : i32 to vector<16xi32>
        %eq3A_75 = arith.cmpi eq, %iota3A, %eq3A_74 : vector<16xi32>
        %and3A_76 = arith.andi %and3A, %eq3A_75 : vector<16xi1>
        tpu.vector_store_idx %arg8[%add3A_61], %broadcast_in_dim3A_1 masked %and3A_76 {add = true} : memref<65536xf32, #tpu.memory_space<vmem>>[vector<16xi32>], vector<16xf32>, vector<16xi1>
        %eq3A_77 = arith.constant 4 : i32
        %eq3A_78 = vector.broadcast %eq3A_77 : i32 to vector<16xi32>
        %eq3A_79 = arith.cmpi eq, %iota3A, %eq3A_78 : vector<16xi32>
        %and3A_80 = arith.andi %and3A, %eq3A_79 : vector<16xi1>
        tpu.vector_store_idx %arg8[%add3A_61], %broadcast_in_dim3A_1 masked %and3A_80 {add = true} : memref<65536xf32, #tpu.memory_space<vmem>>[vector<16xi32>], vector<16xf32>, vector<16xi1>
        %eq3A_81 = arith.constant 5 : i32
        %eq3A_82 = vector.broadcast %eq3A_81 : i32 to vector<16xi32>
        %eq3A_83 = arith.cmpi eq, %iota3A, %eq3A_82 : vector<16xi32>
        %and3A_84 = arith.andi %and3A, %eq3A_83 : vector<16xi1>
        tpu.vector_store_idx %arg8[%add3A_61], %broadcast_in_dim3A_1 masked %and3A_84 {add = true} : memref<65536xf32, #tpu.memory_space<vmem>>[vector<16xi32>], vector<16xf32>, vector<16xi1>
        %eq3A_85 = arith.constant 6 : i32
        %eq3A_86 = vector.broadcast %eq3A_85 : i32 to vector<16xi32>
        %eq3A_87 = arith.cmpi eq, %iota3A, %eq3A_86 : vector<16xi32>
        %and3A_88 = arith.andi %and3A, %eq3A_87 : vector<16xi1>
        tpu.vector_store_idx %arg8[%add3A_61], %broadcast_in_dim3A_1 masked %and3A_88 {add = true} : memref<65536xf32, #tpu.memory_space<vmem>>[vector<16xi32>], vector<16xf32>, vector<16xi1>
        %eq3A_89 = arith.constant 7 : i32
        %eq3A_90 = vector.broadcast %eq3A_89 : i32 to vector<16xi32>
        %eq3A_91 = arith.cmpi eq, %iota3A, %eq3A_90 : vector<16xi32>
        %and3A_92 = arith.andi %and3A, %eq3A_91 : vector<16xi1>
        tpu.vector_store_idx %arg8[%add3A_61], %broadcast_in_dim3A_1 masked %and3A_92 {add = true} : memref<65536xf32, #tpu.memory_space<vmem>>[vector<16xi32>], vector<16xf32>, vector<16xi1>
        %eq3A_93 = arith.constant 8 : i32
        %eq3A_94 = vector.broadcast %eq3A_93 : i32 to vector<16xi32>
        %eq3A_95 = arith.cmpi eq, %iota3A, %eq3A_94 : vector<16xi32>
        %and3A_96 = arith.andi %and3A, %eq3A_95 : vector<16xi1>
        tpu.vector_store_idx %arg8[%add3A_61], %broadcast_in_dim3A_1 masked %and3A_96 {add = true} : memref<65536xf32, #tpu.memory_space<vmem>>[vector<16xi32>], vector<16xf32>, vector<16xi1>
        %eq3A_97 = arith.constant 9 : i32
        %eq3A_98 = vector.broadcast %eq3A_97 : i32 to vector<16xi32>
        %eq3A_99 = arith.cmpi eq, %iota3A, %eq3A_98 : vector<16xi32>
        %and3A_100 = arith.andi %and3A, %eq3A_99 : vector<16xi1>
        tpu.vector_store_idx %arg8[%add3A_61], %broadcast_in_dim3A_1 masked %and3A_100 {add = true} : memref<65536xf32, #tpu.memory_space<vmem>>[vector<16xi32>], vector<16xf32>, vector<16xi1>
        %eq3A_101 = arith.constant 10 : i32
        %eq3A_102 = vector.broadcast %eq3A_101 : i32 to vector<16xi32>
        %eq3A_103 = arith.cmpi eq, %iota3A, %eq3A_102 : vector<16xi32>
        %and3A_104 = arith.andi %and3A, %eq3A_103 : vector<16xi1>
        tpu.vector_store_idx %arg8[%add3A_61], %broadcast_in_dim3A_1 masked %and3A_104 {add = true} : memref<65536xf32, #tpu.memory_space<vmem>>[vector<16xi32>], vector<16xf32>, vector<16xi1>
        %eq3A_105 = arith.constant 11 : i32
        %eq3A_106 = vector.broadcast %eq3A_105 : i32 to vector<16xi32>
        %eq3A_107 = arith.cmpi eq, %iota3A, %eq3A_106 : vector<16xi32>
        %and3A_108 = arith.andi %and3A, %eq3A_107 : vector<16xi1>
        tpu.vector_store_idx %arg8[%add3A_61], %broadcast_in_dim3A_1 masked %and3A_108 {add = true} : memref<65536xf32, #tpu.memory_space<vmem>>[vector<16xi32>], vector<16xf32>, vector<16xi1>
        %eq3A_109 = arith.constant 12 : i32
        %eq3A_110 = vector.broadcast %eq3A_109 : i32 to vector<16xi32>
        %eq3A_111 = arith.cmpi eq, %iota3A, %eq3A_110 : vector<16xi32>
        %and3A_112 = arith.andi %and3A, %eq3A_111 : vector<16xi1>
        tpu.vector_store_idx %arg8[%add3A_61], %broadcast_in_dim3A_1 masked %and3A_112 {add = true} : memref<65536xf32, #tpu.memory_space<vmem>>[vector<16xi32>], vector<16xf32>, vector<16xi1>
        %eq3A_113 = arith.constant 13 : i32
        %eq3A_114 = vector.broadcast %eq3A_113 : i32 to vector<16xi32>
        %eq3A_115 = arith.cmpi eq, %iota3A, %eq3A_114 : vector<16xi32>
        %and3A_116 = arith.andi %and3A, %eq3A_115 : vector<16xi1>
        tpu.vector_store_idx %arg8[%add3A_61], %broadcast_in_dim3A_1 masked %and3A_116 {add = true} : memref<65536xf32, #tpu.memory_space<vmem>>[vector<16xi32>], vector<16xf32>, vector<16xi1>
        %eq3A_117 = arith.constant 14 : i32
        %eq3A_118 = vector.broadcast %eq3A_117 : i32 to vector<16xi32>
        %eq3A_119 = arith.cmpi eq, %iota3A, %eq3A_118 : vector<16xi32>
        %and3A_120 = arith.andi %and3A, %eq3A_119 : vector<16xi1>
        tpu.vector_store_idx %arg8[%add3A_61], %broadcast_in_dim3A_1 masked %and3A_120 {add = true} : memref<65536xf32, #tpu.memory_space<vmem>>[vector<16xi32>], vector<16xf32>, vector<16xi1>
        %eq3A_121 = arith.constant 15 : i32
        %eq3A_122 = vector.broadcast %eq3A_121 : i32 to vector<16xi32>
        %eq3A_123 = arith.cmpi eq, %iota3A, %eq3A_122 : vector<16xi32>
        %and3A_124 = arith.andi %and3A, %eq3A_123 : vector<16xi1>
        tpu.vector_store_idx %arg8[%add3A_61], %broadcast_in_dim3A_1 masked %and3A_124 {add = true} : memref<65536xf32, #tpu.memory_space<vmem>>[vector<16xi32>], vector<16xf32>, vector<16xi1>
        %scan3A_125 = arith.constant 0 : i32
        scf.yield %scan3A_125 : i32
      }
      %scan3A_39 = arith.constant 128 : i32
      %scan3A_40 = arith.constant 0 : i32
      scf.yield %scan3A_40 : i32
    }
    %scan3A_24 = arith.constant 16 : i32
    %mul3A_25 = arith.constant 2048 : i32
    %mul3A_26 = arith.muli %add3A_17, %mul3A_25 : i32
    "tpu.region"() ({
      %run_scoped3A = tpu.sem_alloc : memref<!tpu.dma_semaphore, #tpu.memory_space<semaphore_mem>>
      %dma_start3A = tpu.memref_slice %arg5[%mul3A_26] : memref<4194304xf32, #tpu.memory_space<hbm>> -> memref<65536xf32, #tpu.memory_space<hbm>>
      %dma_start3A_27 = tpu.memref_slice %arg5[%mul3A_26] : memref<4194304xf32, #tpu.memory_space<hbm>> -> memref<65536xf32, #tpu.memory_space<hbm>>
      tpu.enqueue_dma source(%arg8 : memref<65536xf32, #tpu.memory_space<vmem>>) target(%dma_start3A_27 : memref<65536xf32, #tpu.memory_space<hbm>>) target_semaphore(%run_scoped3A : memref<!tpu.dma_semaphore, #tpu.memory_space<semaphore_mem>>)
      %dma_wait3A = tpu.memref_slice %arg5[%mul3A_26] : memref<4194304xf32, #tpu.memory_space<hbm>> -> memref<65536xf32, #tpu.memory_space<hbm>>
      %dma_wait3A_28 = tpu.memref_slice %arg5[%mul3A_26] : memref<4194304xf32, #tpu.memory_space<hbm>> -> memref<65536xf32, #tpu.memory_space<hbm>>
      tpu.wait_dma2 semaphore(%run_scoped3A : memref<!tpu.dma_semaphore, #tpu.memory_space<semaphore_mem>>) src(%arg8 : memref<65536xf32, #tpu.memory_space<vmem>>) dst(%dma_wait3A_28 : memref<65536xf32, #tpu.memory_space<hbm>>)
      tpu.yield
    }) : () -> ()
    return
  }
}

</mosaic_0001>

<sc_bundles>
// kernel: _sc_count_matrix.3.cloned.1.call-start
scs
__scs_entry_jumppad:
0x0: {  	(pc) =	sbr.rel $0x88, $3  }
0x1: {  	(tag) =	ssettag $0x0;
	lr =	simm.s32 $0x1  }
0x2: {  	[smem:$0x3F9E] =	sst lr;
	_ =	strace $0xD0000000  }
0x3: {  	_ = 	snop  }
0x4: {  	_ = 	snop  }
0x5: {  	_ = 	snop  }
0x6: {  	_ = 	snop  }
0x7: {  	_ = 	snop  }
__scs_overlays_trampoline_lowered:
0x8: {  	[smem:$0x3FAD] =	sst s0  }
0x9: {  	[smem:$0x3FAE] =	sst s1  }
0xa: {  	[smem:$0x3FAF] =	sst s2  }
0xb: {  	[smem:$0x3FB0] =	sst s3  }
0xc: {  	[smem:$0x3FB1] =	sst s4  }
0xd: {  	[smem:$0x3FB2] =	sst s5  }
0xe: {  	[smem:$0x3FB3] =	sst s6  }
0xf: {  	[smem:$0x3FB4] =	sst s7  }
0x10: {  	[smem:$0x3FB5] =	sst s8  }
0x11: {  	[smem:$0x3FB6] =	sst s9;
	s0 =	simm.s32 @!p0 $0x0  }
0x12: {  	s1 =	sld [smem:$0x3F9C];
	s0 =	simm.s32 @p0 $0x1  }
0x13: {  	[smem:$0x3FB7] =	sst s0;
	s0 =	simm.s32 @!p1 $0x0  }
0x14: {  	s2 =	sld [smem:$0x3F9B];
	s0 =	simm.s32 @p1 $0x1  }
0x15: {  	[smem:$0x3FB8] =	sst s0;
	s0 =	simm.s32 @!p2 $0x0  }
0x16: {  	s3 =	sld [smem:$0x3FDB];
	s0 =	simm.s32 @p2 $0x1  }
0x17: {  	s4 =	simm.s32 $0x1BF5;
	[smem:$0x3FBA] =	sst s0  }
0x18: {  	s0 =	sld [smem:$0x3F9D];
	_ =	swait.ge [sflag:s4], $0x0  }
0x19: {  	s7 =	sld [smem:$0x3F9E]  }
0x1a: {  	s8 =	sadd.s32 $0xFFFFE003, lr  }
0x1b: {  	s9 =	sadd.s32 $0xFFFFFEF7, lr;
	s5 =	simm.s32 $0xFFFFFFFF;
	p2 =	slt.u32 s8, $0xFFFFF086  }
0x1c: {  	p1 =	slt.u32 s9, $0xF7A;
	s5 =	simm.s32 @!p2 $0x0  }
0x1d: {  	s5 =	simm.s32 @p1 $0x1;
	p0 =	seq.s32 s7, s2  }
0x1e: {  	s7 =	smul.u32 @!p0 $0xF7A, s2;
	p2 =	seq.s32 @!p0 s5, $0x0  }
0x1f: {  	s9 =	smul.u32 $0xF7A, s1;
	s8 =	simm.s32 @!p0 $0x1BF5;
	p2 =	por !p2, p0  }
0x20: {  	[sflag:s8] =	ssyncset.s32 @!p0 $0xFFFFF086;
	s6 =	sadd.s32 @!p0 s3, s7;
	s7 =	simm.s32 @!p0 $0x108  }
0x21: {  	s3 =	sadd.s32 s3, s9;
	s6 =	sadd.s32 @!p0 $0x88, s6;
	s7 =	simm.s32 @p2 $0x1082  }
0x22: {  	[simem:s7], [sflag:s8] =	dma.local @!p0 [hbm:s6], $0xF7A  }
0x23: {  	s9 =	sor.u32 $0xD0000000, s2;
	s6 =	simm.s32 $0x108;
	_ =	swait.ge @!p0 [sflag:s8], $0x0  }
0x24: {  	s3 =	sadd.s32 $0x88, s3;
	s6 =	simm.s32 @!p1 $0x1082;
	[sflag:s4] =	ssyncset.s32 $0xFFFFF086  }
0x25: {  	[simem:s6], [sflag:s4] =	dma.local [hbm:s3], $0xF7A  }
0x26: {  	[smem:$0x3F9E] =	sst s1;
	(tag) =	ssettag s2;
	_ =	strace s9  }
0x27: {  	s1 =	sld [smem:$0x3FAE]  }
0x28: {  	s2 =	sld [smem:$0x3FAF]  }
0x29: {  	s4 =	sld [smem:$0x3FB1]  }
0x2a: {  	p0 =	seq.s32 s5, $0x0;
	s5 =	sld [smem:$0x3FB2]  }
0x2b: {  	s6 =	sld [smem:$0x3FB3]  }
0x2c: {  	s7 =	sld [smem:$0x3FB4]  }
0x2d: {  	s3 =	simm.s32 $0x108;
	s8 =	sld [smem:$0x3FB5]  }
0x2e: {  	s3 =	simm.s32 @!p0 $0x1082;
	s9 =	sld [smem:$0x3FB6]  }
0x2f: {  	lr =	sadd.s32 s0, s3;
	s0 =	sld [smem:$0x3FAD]  }
0x30: {  	s3 =	sld [smem:$0x3FB0]  }
0x31: {  	[smem:$0x3FB9] =	sst s10  }
0x32: {  	s10 =	sld [smem:$0x3FB7];
	_ =	sdelay $0x3  }
0x33: {  	p0 =	seq.s32 s10, $0x1;
	s10 =	sld [smem:$0x3FB9];
	_ =	sdelay $0x3  }
0x34: {  	[smem:$0x3FB9] =	sst s10  }
0x35: {  	s10 =	sld [smem:$0x3FB8];
	_ =	sdelay $0x3  }
0x36: {  	p1 =	seq.s32 s10, $0x1;
	s10 =	sld [smem:$0x3FB9];
	_ =	sdelay $0x3  }
0x37: {  	[smem:$0x3FB9] =	sst s10  }
0x38: {  	s10 =	sld [smem:$0x3FBA]  }
0x39: {  	_ = 	snop;
	(pc) =	sbr.ind lr, $3  }
0x3a: {  	_ = 	snop  }
0x3b: {  	_ = 	snop  }
0x3c: {  	p2 =	seq.s32 s10, $0x1;
	s10 =	sld [smem:$0x3FB9]  }
0x3d: {  	_ =	shalt  }
0x3e: {  	_ =	shalt  }
0x3f: {  	_ =	shalt  }
0x40: {  	_ =	shalt  }
0x41: {  	_ =	shalt  }
0x42: {  	_ =	shalt  }
0x43: {  	_ =	shalt  }
0x44: {  	_ =	shalt  }
0x45: {  	_ =	shalt  }
0x46: {  	_ =	shalt  }
0x47: {  	_ =	shalt  }
0x48: {  	_ =	shalt  }
0x49: {  	_ =	shalt  }
0x4a: {  	_ =	shalt  }
0x4b: {  	_ =	shalt  }
0x4c: {  	_ =	shalt  }
0x4d: {  	_ =	shalt  }
0x4e: {  	_ =	shalt  }
0x4f: {  	_ =	shalt  }
0x50: {  	_ =	shalt  }
0x51: {  	_ =	shalt  }
0x52: {  	_ =	shalt  }
0x53: {  	_ =	shalt  }
0x54: {  	_ =	shalt  }
0x55: {  	_ =	shalt  }
0x56: {  	_ =	shalt  }
0x57: {  	_ =	shalt  }
0x58: {  	_ =	shalt  }
0x59: {  	_ =	shalt  }
0x5a: {  	_ =	shalt  }
0x5b: {  	_ =	shalt  }
0x5c: {  	_ =	shalt  }
0x5d: {  	_ =	shalt  }
0x5e: {  	_ =	shalt  }
0x5f: {  	_ =	shalt  }
0x60: {  	_ =	shalt  }
0x61: {  	_ =	shalt  }
0x62: {  	_ =	shalt  }
0x63: {  	_ =	shalt  }
0x64: {  	_ =	shalt  }
0x65: {  	_ =	shalt  }
0x66: {  	_ =	shalt  }
0x67: {  	_ =	shalt  }
0x68: {  	_ =	shalt  }
0x69: {  	_ =	shalt  }
0x6a: {  	_ =	shalt  }
0x6b: {  	_ =	shalt  }
0x6c: {  	_ =	shalt  }
0x6d: {  	_ =	shalt  }
0x6e: {  	_ =	shalt  }
0x6f: {  	_ =	shalt  }
0x70: {  	_ =	shalt  }
0x71: {  	_ =	shalt  }
0x72: {  	_ =	shalt  }
0x73: {  	_ =	shalt  }
0x74: {  	_ =	shalt  }
0x75: {  	_ =	shalt  }
0x76: {  	_ =	shalt  }
0x77: {  	_ =	shalt  }
0x78: {  	_ =	shalt  }
0x79: {  	_ =	shalt  }
0x7a: {  	_ =	shalt  }
0x7b: {  	_ =	shalt  }
0x7c: {  	_ =	shalt  }
0x7d: {  	_ =	shalt  }
0x7e: {  	_ =	shalt  }
0x7f: {  	_ =	shalt  }
0x80: {  	_ =	shalt  }
0x81: {  	_ =	shalt  }
0x82: {  	_ =	shalt  }
0x83: {  	_ =	shalt  }
0x84: {  	_ =	shalt  }
0x85: {  	_ =	shalt  }
0x86: {  	_ =	shalt  }
0x87: {  	_ =	shalt  }
.Lfunc_end0:
.L_simem_size_0:
called_computation_lowered:
.L_overlay_start_0:
0x88: {  	s2 =	sld [smem:$0x3FD9]  }
0x89: {  	s3 =	sld [smem:$0x3FFE];
	_ =	sdelay $0x1  }
0x8a: {  	s1 =	srdreg.scid  }
0x8b: {  	s0 =	sand.u32 $0x1, s1  }
0x8c: {  	s17 =	sshll.u32 s0, $0xA;
	s2 =	sadd.s32 s3, s2  }
0x8d: {  	s2 =	sadd.s32 s2, s17  }
0x8e: {  	[smem:$0x3FC5] =	sst s2  }
0x8f: {  	_ = 	snop  }
0x90: {  	s2 =	sld [smem:$0x3FC9]  }
0x91: {  	s18 =	sld [smem:$0x3FC8]  }
0x92: {  	s4 =	sld [smem:$0x3FC7];
	(tm) =	ssettm $0x1  }
0x93: {  	s5 =	sld [smem:$0x3FFB];
	_ =	sdelay $0x3  }
0x94: {  	_ =	strace s5  }
0x95: {  	s5 =	sld [smem:$0x3FFC];
	_ =	sdelay $0x3  }
0x96: {  	_ =	strace s5  }
0x97: {  	s5 =	sld [smem:$0x3FFD];
	_ =	sdelay $0x3  }
0x98: {  	_ =	strace s5  }
0x99: {  	_ =	strace $0x8FFFFFFF  }
0x9a: {  	s19 =	sld [smem:$0x3FDB];
	_ =	sdelay $0x1  }
0x9b: {  	s6 =	simm.s32 $_scs_section_size  }
0x9c: {  	s7 =	simm.s32 $_size__tile_overlayer_lowered;
	s8 =	simm.s32 $_tile_overlayer_lowered  }
0x9d: {  	s22 =	simm.s32 $0x1BFF;
	s21 =	sshll.u32 s8, $0x1;
	s5 =	sadd.s32 s6, s19  }
0x9e: {  	s9 =	simm.s32 $0x0;
	s20 =	sshll.u32 s7, $0x1;
	s7 =	sadd.s32 s21, s5  }
0x9f: {  	[timem:s9], [sflag:s22] =	dma.local [hbm:s7], s20  }
0xa0: {  	_ =	swait.ge [sflag:s22], s20  }
0xa1: {  	s6 =	ssub.s32 $0x0, s20;
	[sflag:s22] =	ssyncset.done $0x0  }
0xa2: {  	[sflag:s22] =	ssyncadd.s32 s6;
	_ =	sdelay $0x1  }
0xa3: {  	s23 =	simm.s32 $0x1B8B  }
0xa4: {  	_ =	swait.ge [sflag:s23], $0x1  }
0xa5: {  	[sflag:s23] =	ssyncset.done $0x0  }
0xa6: {  	s25 =	simm.s32 $0x1B8E;
	s24 =	sld [smem:$0x3FFE];
	[sflag:s23] =	ssyncadd.s32 $0xFFFFFFFF  }
0xa7: {  	s26 =	simm.s32 $execute0_lowered;
	[smem:$0x3FD2] =	sst s25  }
0xa8: {  	s7 =	sshll.u32 s26, $0x1;
	_ =	strace $0x80000046;
	[dreg:$0x1] =	wrdreg $0xFFFFFFFF  }
0xa9: {  	s28 =	simm.s32 $_size_execute0_lowered;
	s5 =	sadd.s32 s5, s7;
	[dreg:$0x0] =	wrdreg $0x0  }
0xaa: {  	s7 =	sshll.u32 s28, $0x1;
	[dreg:$0x2] =	wrdreg s5  }
0xab: {  	[dreg:$0x3] =	wrdreg s7  }
0xac: {  	[dreg:$0x4] =	wrdreg $0xC0  }
0xad: {  	_ =	task [dreg:s9], $0x5FFFF  }
0xae: {  	[dreg:$0x1] =	wrdreg $0xFFFFFFFF  }
0xaf: {  	[dreg:$0x0] =	wrdreg $0x60  }
0xb0: {  	[dreg:$0x2] =	wrdreg s2  }
0xb1: {  	[dreg:$0x3] =	wrdreg s18  }
0xb2: {  	[dreg:$0x4] =	wrdreg s4  }
0xb3: {  	[dreg:$0x5] =	wrdreg s24  }
0xb4: {  	[dreg:$0x6] =	wrdreg $0x9  }
0xb5: {  	_ =	task.clear_ibuf [dreg:s9], $0x7FFFF;
	_ =	strace $0x90000046  }
0xb6: {  	s29 =	simm.s32 $0x9;
	_ =	strace $0x80000048  }
0xb7: {  	_ =	swait.ge [sflag:s29], $0x1  }
0xb8: {  	[sflag:s29] =	ssyncadd.s32 $0xFFFFFFFF  }
0xb9: {  	_ =	strace $0x90000048  }
0xba: {  	_ =	sfence  }
0xbb: {  	s30 =	sld [smem:$0x0];
	_ =	sdelay $0x2  }
0xbc: {  	s31 =	sshll.u32 s1, $0xD;
	s1 =	sshrl.u32 s1, $0x2  }
0xbd: {  	s3 =	sand.u32 $0x4000, s31;
	s1 =	sadd.s32 s1, s30  }
0xbe: {  	s0 =	sor.u32 s3, s0;
	s1 =	sshll.u32 s1, $0x11  }
0xbf: {  	s0 =	sor.u32 s1, s0  }
0xc0: {  	s0 =	sadd.s32 $0x8F2B, s0  }
0xc1: {  	[sflag:s0] =	ssyncadd.remote.s32 $0x1  }
0xc2: {  	_ =	sfence.sel $0xFFFF  }
0xc3: {  	[dreg:$0x0] =	wrdreg $0xFFFFFFFF;
	(pc) =	sbr.abs _section_cstart, $3  }
0xc4: {  	[dreg:$0x1] =	wrdreg $0xFFFFFFFF  }
0xc5: {  	_ =	task.clear_ibuf [dreg:s9], $0x2FFFF;
	_ =	strace $0x9FFFFFFF  }
0xc6: {  	(tm) =	ssettm $0x7FFFFFFF  }
0xc7: {  	_ =	shalt  }
tec
execute0_lowered:
.L_overlay_start_1:
0x0: {  	(tag) =	ssettag $0x1  }
0x1: {  	s1 =	rddreg [dreg:$0x0]  }
0x2: {  	s2 =	rddreg [dreg:$0x1]  }
0x3: {  	s3 =	srdreg.scid;
	s4 =	rddreg [dreg:$0x2]  }
0x4: {  	s0 =	stileid.u32;
	s8 =	rddreg [dreg:$0x3];
	s5 =	simm.s32 $0x0  }
0x5: {  	s11 =	simm.s32 $0x800;
	s6 =	sand.u32 $0x1, s3;
	s3 =	rddreg [dreg:$0x4]  }
0x6: {  	s12 =	simm.s32 $0x0;
	s30 =	sshll.u32 s0, $0x1;
	[smem:$0x7FF] =	sst s5  }
0x7: {  	s8 =	sadd.s32 $0x400, s8;
	s7 =	sor.u32 s6, s30;
	s6 =	ssub.s32 $0x2, s6  }
0x8: {  	vm0 =	vmmov $0x1;
	v2 =	vimm.f32 $1.000000000e+00;
	vm3 =	vcmask $0x704;
	_ =	strace $0x80000047;
	s9 =	sshll.u32 s7, $0x5;
	s10 =	sshrl.u32 s6, $0x1  }
0x9: {  	vm4 =	vcmask $0xB08;
	vm5 =	vcmask $0xF0C;
	s7 =	sshll.u32 s7, $0xD;
	v0 =	vmov s9;
	s9 =	sor.u32 $0x400, s9;
	s10 =	ssub.s32 s6, s10  }
0xa: {  	vm6 =	vcmask $0x1310;
	vm7 =	vcmask $0x1714;
	s6 =	sadd.s32 s8, s7;
	v1 =	vmov s9;
	s31 =	sshll.u32 s9, $0x8;
	s9 =	simm.s32 $0x1000  }
0xb: {  	vm2 =	vcmask $0x3F3C;
	vm14 =	vcmask $0x3734;
	vm15 =	vcmask $0x3B38;
	s7 =	sadd.s32 s8, s31;
	s8 =	smax.u32 s10, $0x1;
	s10 =	simm.s32 $0x1  }
.LBB2_1:
0xc: {  	[tilespmem:s9], [sflag:$0x1] =	stream.linear.gather [hbm4b:s4+s5], $0x10000, $0x38;
	[tilespmem:$0x11000] =	vst v63  }
0xd: {  	_ =	swait.ge [sflag:s10], $0x10000  }
0xe: {  	[sflag:s10] =	ssyncset.done $0x0  }
0xf: {  	s13 =	simm.s32 $0x0;
	[sflag:s10] =	ssyncadd.s32 $0xFFFF0000  }
.LBB2_2:
0x10: {  	s14 =	sshll.u32 s13, $0x8  }
0x11: {  	s16 =	simm.s32 $0x0;
	s15 =	sadd.s32 s1, s14  }
0x12: {  	[tilespmem:s16], [sflag:$0x1] =	stream.linear.gather [hbm4b:s15+s16], $0x800, $0x38;
	[tilespmem:$0x11000] =	vst v63  }
0x13: {  	_ =	swait.ge [sflag:s10], $0x800  }
0x14: {  	[sflag:s10] =	ssyncset.done $0x0  }
0x15: {  	s14 =	sadd.s32 s2, s14;
	[sflag:s10] =	ssyncadd.s32 $0xFFFFF800  }
0x16: {  	[tilespmem:s11], [sflag:$0x1] =	stream.linear.gather [hbm4b:s14+s16], $0x800, $0x38;
	[tilespmem:$0x11000] =	vst v63  }
0x17: {  	_ =	swait.ge [sflag:s10], $0x800  }
0x18: {  	[sflag:s10] =	ssyncset.done $0x0  }
0x19: {  	s31 =	simm.s32 $0x0;
	[sflag:s10] =	ssyncadd.s32 $0xFFFFF800  }
0x1a: {  	v3 =	vld [tilespmem:s31+$0x800];
	_ =	sdelay $0x4  }
0x1b: {  	v4 =	vld [tilespmem:s31+$0x0];
	v3 =	vsub.s32 v3, v0  }
0x1c: {  	vm1 =	vgt.s32 v3, $0x0  }
0x1d: {  	v5 =	vnsel vm1, $0x0, v3  }
0x1e: {  	vm1 =	vlt.u32 v3, $0x20;
	v3 =	vmin.u32 v5, $0x1F  }
0x1f: {  	vm10 =	vmand vm1, vm0;
	vm11 =	vmand vm1, vm3;
	v3 =	vshll.u32 v3, $0xB  }
0x20: {  	vm8 =	vmand vm1, vm6;
	v3 =	vadd.s32 v4, v3;
	v4 =	vimm.s32 $0x0  }
0x21: {  	vm12 =	vmand vm1, vm4;
	v4 =	vsel vm8, $0xFFFFFFFF, v4  }
0x22: {  	vm13 =	vmand vm1, vm5;
	[tilespmem:$0x1FFE0] =	vst v4  }
0x23: {  	v4 =	vld [tilespmem:$0x1FFE0]  }
0x24: {  	vm8 =	vcmask $0x1B18  }
0x25: {  	[tilespmem:v3+s9+$0x0] =	vst.idx.add.f32.msk vm10, v2;
	vm10 =	vmand vm1, vm8;
	vm8 =	vcmask $0x1F1C  }
0x26: {  	[tilespmem:v3+s9+$0x0] =	vst.idx.add.f32.msk vm11, v2;
	vm11 =	vmand vm1, vm8;
	vm8 =	vcmask $0x2320  }
0x27: {  	[tilespmem:v3+s9+$0x0] =	vst.idx.add.f32.msk vm12, v2;
	vm12 =	vmand vm1, vm8;
	vm8 =	vcmask $0x2724  }
0x28: {  	[tilespmem:v3+s9+$0x0] =	vst.idx.add.f32.msk vm13, v2;
	vm13 =	vmand vm1, vm8;
	vm8 =	vnez.u8 v4;
	_ =	sdelay $0x5  }
0x29: {  	[tilespmem:v3+s9+$0x0] =	vst.idx.add.f32.msk vm8, v2;
	vm8 =	vcmask $0x2B28  }
0x2a: {  	v4 =	vimm.s32 $0x0;
	vm8 =	vmand vm1, vm8  }
0x2b: {  	vm9 =	vmand vm1, vm7;
	v4 =	vsel vm8, $0xFFFFFFFF, v4  }
0x2c: {  	[tilespmem:$0x1FFF0] =	vst v4  }
0x2d: {  	v4 =	vld [tilespmem:$0x1FFF0];
	_ =	sdelay $0x2  }
0x2e: {  	vm8 =	vcmask $0x2F2C  }
0x2f: {  	[tilespmem:v3+s9+$0x0] =	vst.idx.add.f32.msk vm9, v2;
	vm9 =	vmand vm1, vm8;
	vm8 =	vcmask $0x3330  }
0x30: {  	[tilespmem:v3+s9+$0x0] =	vst.idx.add.f32.msk vm10, v2;
	vm10 =	vmand vm1, vm8;
	vm8 =	vnez.u8 v4;
	_ =	sdelay $0x2  }
0x31: {  	[tilespmem:v3+s9+$0x0] =	vst.idx.add.f32.msk vm11, v2;
	vm11 =	vmand vm1, vm14  }
0x32: {  	[tilespmem:v3+s9+$0x0] =	vst.idx.add.f32.msk vm12, v2;
	vm12 =	vmand vm1, vm15  }
0x33: {  	[tilespmem:v3+s9+$0x0] =	vst.idx.add.f32.msk vm13, v2  }
0x34: {  	vm1 =	vmand vm1, vm2;
	[tilespmem:v3+s9+$0x0] =	vst.idx.add.f32.msk vm8, v2  }
0x35: {  	[tilespmem:v3+s9+$0x0] =	vst.idx.add.f32.msk vm9, v2  }
0x36: {  	[tilespmem:v3+s9+$0x0] =	vst.idx.add.f32.msk vm10, v2  }
0x37: {  	[tilespmem:v3+s9+$0x0] =	vst.idx.add.f32.msk vm11, v2  }
0x38: {  	s15 =	simm.s32 $0x80;
	s14 =	simm.s32 $0x40;
	vm13 =	vmmov vm2;
	[tilespmem:v3+s9+$0x0] =	vst.idx.add.f32.msk vm12, v2  }
.LBB2_3:
0x39: {  	p0 =	sne.s32 s15, $0x1FC0  }
0x3a: {  	s16 =	sshra.s32 s14, $0x2;
	[tilespmem:v3+s9+$0x0] =	vst.idx.add.f32.msk vm1, v2;
	s14 =	smov.u32 s15;
	s15 =	sadd.s32 $0x40, s15  }
0x3b: {  	v3 =	vld [tilespmem:s16+$0x800];
	_ =	sdelay $0x4  }
0x3c: {  	v4 =	vld [tilespmem:s16+$0x0];
	v3 =	vsub.s32 v3, v0  }
0x3d: {  	vm1 =	vlt.u32 v3, $0x20;
	vm2 =	vgt.s32 v3, $0x0  }
0x3e: {  	v3 =	vnsel vm2, $0x0, v3  }
0x3f: {  	v3 =	vmin.u32 v3, $0x1F  }
0x40: {  	vm2 =	vmand vm1, vm0;
	v3 =	vshll.u32 v3, $0xB  }
0x41: {  	vm8 =	vmmov vm3;
	vm3 =	vmand vm1, vm3;
	v3 =	vadd.s32 v4, v3  }
0x42: {  	vm9 =	vmmov vm4;
	vm4 =	vmand vm1, vm4  }
0x43: {  	vm10 =	vmmov vm5;
	vm5 =	vmand vm1, vm5  }
0x44: {  	vm11 =	vmmov vm6;
	vm6 =	vmand vm1, vm6  }
0x45: {  	vm12 =	vmmov vm7;
	vm7 =	vmand vm1, vm7  }
0x46: {  	[tilespmem:v3+s9+$0x0] =	vst.idx.add.f32.msk vm2, v2;
	vm2 =	vcmask $0x1B18  }
0x47: {  	vm2 =	vmand vm1, vm2  }
0x48: {  	[tilespmem:v3+s9+$0x0] =	vst.idx.add.f32.msk vm3, v2;
	vm3 =	vcmask $0x1F1C  }
0x49: {  	vm3 =	vmand vm1, vm3  }
0x4a: {  	[tilespmem:v3+s9+$0x0] =	vst.idx.add.f32.msk vm4, v2;
	vm4 =	vcmask $0x2320  }
0x4b: {  	vm4 =	vmand vm1, vm4  }
0x4c: {  	[tilespmem:v3+s9+$0x0] =	vst.idx.add.f32.msk vm5, v2;
	vm5 =	vcmask $0x2724  }
0x4d: {  	vm5 =	vmand vm1, vm5  }
0x4e: {  	[tilespmem:v3+s9+$0x0] =	vst.idx.add.f32.msk vm6, v2;
	vm6 =	vcmask $0x2B28  }
0x4f: {  	vm6 =	vmand vm1, vm6  }
0x50: {  	[tilespmem:v3+s9+$0x0] =	vst.idx.add.f32.msk vm7, v2;
	vm7 =	vcmask $0x2F2C  }
0x51: {  	vm7 =	vmand vm1, vm7  }
0x52: {  	[tilespmem:v3+s9+$0x0] =	vst.idx.add.f32.msk vm2, v2;
	vm2 =	vcmask $0x3330  }
0x53: {  	vm2 =	vmand vm1, vm2  }
0x54: {  	[tilespmem:v3+s9+$0x0] =	vst.idx.add.f32.msk vm3, v2;
	vm3 =	vmand vm1, vm14  }
0x55: {  	[tilespmem:v3+s9+$0x0] =	vst.idx.add.f32.msk vm4, v2;
	vm4 =	vmand vm1, vm15  }
0x56: {  	vm1 =	vmand vm1, vm13;
	[tilespmem:v3+s9+$0x0] =	vst.idx.add.f32.msk vm5, v2;
	vm5 =	vmmov vm10  }
.Ltmp0:
0x57: {  	[tilespmem:v3+s9+$0x0] =	vst.idx.add.f32.msk vm6, v2;
	vm6 =	vmmov vm11;
	(pc) =	sbr.rel @p0 .LBB2_3-.Ltmp0, $4  }
0x58: {  	[tilespmem:v3+s9+$0x0] =	vst.idx.add.f32.msk vm7, v2;
	vm7 =	vmmov vm12  }
0x59: {  	[tilespmem:v3+s9+$0x0] =	vst.idx.add.f32.msk vm2, v2  }
0x5a: {  	[tilespmem:v3+s9+$0x0] =	vst.idx.add.f32.msk vm3, v2;
	vm3 =	vmmov vm8  }
0x5b: {  	[tilespmem:v3+s9+$0x0] =	vst.idx.add.f32.msk vm4, v2;
	vm4 =	vmmov vm9  }
0x5c: {  	_ =	sdelay $0x4  }
0x5d: {  	s14 =	sshra.s32 s14, $0x2;
	[tilespmem:v3+s9+$0x0] =	vst.idx.add.f32.msk vm1, v2  }
0x5e: {  	v3 =	vld [tilespmem:s14+$0x800];
	_ =	sdelay $0x4  }
0x5f: {  	v4 =	vld [tilespmem:s14+$0x0];
	v3 =	vsub.s32 v3, v0  }
0x60: {  	vm1 =	vgt.s32 v3, $0x0  }
0x61: {  	v5 =	vnsel vm1, $0x0, v3  }
0x62: {  	vm1 =	vlt.u32 v3, $0x20;
	v3 =	vmin.u32 v5, $0x1F  }
0x63: {  	vm2 =	vmand vm1, vm0;
	v3 =	vshll.u32 v3, $0xB  }
0x64: {  	v3 =	vadd.s32 v4, v3  }
0x65: {  	vm3 =	vmand vm1, vm8  }
0x66: {  	vm4 =	vmand vm1, vm9  }
0x67: {  	vm5 =	vmand vm1, vm10  }
0x68: {  	vm6 =	vmand vm1, vm11  }
0x69: {  	vm7 =	vmand vm1, vm12;
	[tilespmem:v3+s9+$0x0] =	vst.idx.add.f32.msk vm2, v2;
	vm2 =	vcmask $0x1B18  }
0x6a: {  	vm2 =	vmand vm1, vm2  }
0x6b: {  	[tilespmem:v3+s9+$0x0] =	vst.idx.add.f32.msk vm3, v2;
	vm3 =	vcmask $0x1F1C  }
0x6c: {  	vm3 =	vmand vm1, vm3;
	[tilespmem:v3+s9+$0x0] =	vst.idx.add.f32.msk vm4, v2;
	vm4 =	vcmask $0x2320  }
0x6d: {  	vm4 =	vmand vm1, vm4;
	[tilespmem:v3+s9+$0x0] =	vst.idx.add.f32.msk vm5, v2;
	vm5 =	vcmask $0x2724  }
0x6e: {  	vm5 =	vmand vm1, vm5;
	[tilespmem:v3+s9+$0x0] =	vst.idx.add.f32.msk vm6, v2;
	vm6 =	vcmask $0x2B28  }
0x6f: {  	vm6 =	vmand vm1, vm6;
	[tilespmem:v3+s9+$0x0] =	vst.idx.add.f32.msk vm7, v2;
	vm7 =	vcmask $0x2F2C  }
0x70: {  	vm7 =	vmand vm1, vm7;
	[tilespmem:v3+s9+$0x0] =	vst.idx.add.f32.msk vm2, v2;
	vm2 =	vcmask $0x3330  }
0x71: {  	vm2 =	vmand vm1, vm2  }
0x72: {  	[tilespmem:v3+s9+$0x0] =	vst.idx.add.f32.msk vm3, v2;
	vm3 =	vmand vm1, vm14  }
0x73: {  	[tilespmem:v3+s9+$0x0] =	vst.idx.add.f32.msk vm4, v2;
	vm4 =	vmand vm1, vm15  }
0x74: {  	s13 =	sadd.s32 $0x1, s13;
	vm1 =	vmand vm1, vm13;
	[tilespmem:v3+s9+$0x0] =	vst.idx.add.f32.msk vm5, v2  }
0x75: {  	p0 =	sne.s32 s13, $0x10;
	[tilespmem:v3+s9+$0x0] =	vst.idx.add.f32.msk vm6, v2  }
.Ltmp1:
0x76: {  	[tilespmem:v3+s9+$0x0] =	vst.idx.add.f32.msk vm7, v2;
	(pc) =	sbr.rel @p0 .LBB2_2-.Ltmp1, $4  }
0x77: {  	[tilespmem:v3+s9+$0x0] =	vst.idx.add.f32.msk vm2, v2  }
0x78: {  	[tilespmem:v3+s9+$0x0] =	vst.idx.add.f32.msk vm3, v2  }
0x79: {  	vm5 =	vmmov vm10;
	vm6 =	vmmov vm11;
	vm7 =	vmmov vm12;
	[tilespmem:v3+s9+$0x0] =	vst.idx.add.f32.msk vm4, v2  }
0x7a: {  	vm2 =	vmmov vm13;
	vm3 =	vmmov vm8;
	vm4 =	vmmov vm9;
	[tilespmem:v3+s9+$0x0] =	vst.idx.add.f32.msk vm1, v2  }
0x7b: {  	s13 =	simm.s32 $0x0  }
0x7c: {  	[hbm4b:s6+s13] =	stream.linear.scatter [tilespmem:s9], [sflag:$0x1], $0x10000, $0x38;
	[tilespmem:$0x11000] =	vst v63  }
0x7d: {  	_ =	swait.ge [sflag:s10], $0x10000  }
0x7e: {  	[sflag:s10] =	ssyncset.done $0x0  }
0x7f: {  	[sflag:s10] =	ssyncadd.s32 $0xFFFF0000  }
0x80: {  	[tilespmem:s9], [sflag:$0x1] =	stream.linear.gather [hbm4b:s4+s13], $0x10000, $0x38;
	[tilespmem:$0x11000] =	vst v63  }
0x81: {  	_ =	swait.ge [sflag:s10], $0x10000  }
0x82: {  	[sflag:s10] =	ssyncset.done $0x0  }
0x83: {  	s14 =	simm.s32 $0x0;
	vm13 =	vmmov vm2;
	[sflag:s10] =	ssyncadd.s32 $0xFFFF0000  }
.LBB2_6:
0x84: {  	s15 =	sshll.u32 s14, $0x8  }
0x85: {  	s16 =	sadd.s32 s1, s15  }
0x86: {  	[tilespmem:s13], [sflag:$0x1] =	stream.linear.gather [hbm4b:s16+s13], $0x800, $0x38;
	[tilespmem:$0x11000] =	vst v63  }
0x87: {  	_ =	swait.ge [sflag:s10], $0x800  }
0x88: {  	[sflag:s10] =	ssyncset.done $0x0  }
0x89: {  	s15 =	sadd.s32 s2, s15;
	[sflag:s10] =	ssyncadd.s32 $0xFFFFF800  }
0x8a: {  	[tilespmem:s11], [sflag:$0x1] =	stream.linear.gather [hbm4b:s15+s13], $0x800, $0x38;
	[tilespmem:$0x11000] =	vst v63  }
0x8b: {  	_ =	swait.ge [sflag:s10], $0x800  }
0x8c: {  	[sflag:s10] =	ssyncset.done $0x0  }
0x8d: {  	s31 =	simm.s32 $0x0;
	[sflag:s10] =	ssyncadd.s32 $0xFFFFF800  }
0x8e: {  	v3 =	vld [tilespmem:s31+$0x800];
	_ =	sdelay $0x4  }
0x8f: {  	v4 =	vld [tilespmem:s31+$0x0];
	v3 =	vsub.s32 v3, v1  }
0x90: {  	vm1 =	vgt.s32 v3, $0x0  }
0x91: {  	v5 =	vnsel vm1, $0x0, v3  }
0x92: {  	vm1 =	vlt.u32 v3, $0x20;
	v3 =	vmin.u32 v5, $0x1F  }
0x93: {  	vm2 =	vmand vm1, vm0;
	v3 =	vshll.u32 v3, $0xB  }
0x94: {  	v3 =	vadd.s32 v4, v3  }
0x95: {  	vm8 =	vmmov vm3;
	vm3 =	vmand vm1, vm3  }
0x96: {  	vm9 =	vmmov vm4;
	vm4 =	vmand vm1, vm4  }
0x97: {  	vm10 =	vmmov vm5;
	vm5 =	vmand vm1, vm5  }
0x98: {  	vm11 =	vmmov vm6;
	vm6 =	vmand vm1, vm6  }
0x99: {  	vm12 =	vmmov vm7;
	vm7 =	vmand vm1, vm7;
	[tilespmem:v3+s9+$0x0] =	vst.idx.add.f32.msk vm2, v2;
	vm2 =	vcmask $0x1B18  }
0x9a: {  	vm2 =	vmand vm1, vm2  }
0x9b: {  	[tilespmem:v3+s9+$0x0] =	vst.idx.add.f32.msk vm3, v2;
	vm3 =	vcmask $0x1F1C  }
0x9c: {  	vm3 =	vmand vm1, vm3;
	[tilespmem:v3+s9+$0x0] =	vst.idx.add.f32.msk vm4, v2;
	vm4 =	vcmask $0x2320  }
0x9d: {  	vm4 =	vmand vm1, vm4;
	[tilespmem:v3+s9+$0x0] =	vst.idx.add.f32.msk vm5, v2;
	vm5 =	vcmask $0x2724  }
0x9e: {  	vm5 =	vmand vm1, vm5;
	[tilespmem:v3+s9+$0x0] =	vst.idx.add.f32.msk vm6, v2;
	vm6 =	vcmask $0x2B28  }
0x9f: {  	vm6 =	vmand vm1, vm6;
	[tilespmem:v3+s9+$0x0] =	vst.idx.add.f32.msk vm7, v2;
	vm7 =	vcmask $0x2F2C  }
0xa0: {  	vm7 =	vmand vm1, vm7;
	[tilespmem:v3+s9+$0x0] =	vst.idx.add.f32.msk vm2, v2;
	vm2 =	vcmask $0x3330  }
0xa1: {  	vm2 =	vmand vm1, vm2  }
0xa2: {  	[tilespmem:v3+s9+$0x0] =	vst.idx.add.f32.msk vm3, v2;
	vm3 =	vmand vm1, vm14  }
0xa3: {  	[tilespmem:v3+s9+$0x0] =	vst.idx.add.f32.msk vm4, v2;
	vm4 =	vmand vm1, vm15  }
0xa4: {  	[tilespmem:v3+s9+$0x0] =	vst.idx.add.f32.msk vm5, v2  }
0xa5: {  	vm1 =	vmand vm1, vm13;
	[tilespmem:v3+s9+$0x0] =	vst.idx.add.f32.msk vm6, v2  }
0xa6: {  	[tilespmem:v3+s9+$0x0] =	vst.idx.add.f32.msk vm7, v2  }
0xa7: {  	[tilespmem:v3+s9+$0x0] =	vst.idx.add.f32.msk vm2, v2  }
0xa8: {  	[tilespmem:v3+s9+$0x0] =	vst.idx.add.f32.msk vm3, v2  }
0xa9: {  	s16 =	simm.s32 $0x80;
	s15 =	simm.s32 $0x40;
	[tilespmem:v3+s9+$0x0] =	vst.idx.add.f32.msk vm4, v2  }
.LBB2_7:
0xaa: {  	p0 =	sne.s32 s16, $0x1FC0  }
0xab: {  	s17 =	sshra.s32 s15, $0x2;
	[tilespmem:v3+s9+$0x0] =	vst.idx.add.f32.msk vm1, v2;
	s15 =	smov.u32 s16;
	s16 =	sadd.s32 $0x40, s16  }
0xac: {  	v3 =	vld [tilespmem:s17+$0x800];
	_ =	sdelay $0x4  }
0xad: {  	v4 =	vld [tilespmem:s17+$0x0];
	v3 =	vsub.s32 v3, v1  }
0xae: {  	vm1 =	vlt.u32 v3, $0x20;
	vm2 =	vgt.s32 v3, $0x0  }
0xaf: {  	v3 =	vnsel vm2, $0x0, v3  }
0xb0: {  	v3 =	vmin.u32 v3, $0x1F  }
0xb1: {  	vm2 =	vmand vm1, vm0;
	v3 =	vshll.u32 v3, $0xB  }
0xb2: {  	vm3 =	vmand vm1, vm8;
	v3 =	vadd.s32 v4, v3  }
0xb3: {  	vm4 =	vmand vm1, vm9  }
0xb4: {  	vm5 =	vmand vm1, vm10  }
0xb5: {  	vm6 =	vmand vm1, vm11  }
0xb6: {  	vm7 =	vmand vm1, vm12  }
0xb7: {  	[tilespmem:v3+s9+$0x0] =	vst.idx.add.f32.msk vm2, v2;
	vm2 =	vcmask $0x1B18  }
0xb8: {  	vm2 =	vmand vm1, vm2  }
0xb9: {  	[tilespmem:v3+s9+$0x0] =	vst.idx.add.f32.msk vm3, v2;
	vm3 =	vcmask $0x1F1C  }
0xba: {  	vm3 =	vmand vm1, vm3  }
0xbb: {  	[tilespmem:v3+s9+$0x0] =	vst.idx.add.f32.msk vm4, v2;
	vm4 =	vcmask $0x2320  }
0xbc: {  	vm4 =	vmand vm1, vm4  }
0xbd: {  	[tilespmem:v3+s9+$0x0] =	vst.idx.add.f32.msk vm5, v2;
	vm5 =	vcmask $0x2724  }
0xbe: {  	vm5 =	vmand vm1, vm5  }
0xbf: {  	[tilespmem:v3+s9+$0x0] =	vst.idx.add.f32.msk vm6, v2;
	vm6 =	vcmask $0x2B28  }
0xc0: {  	vm6 =	vmand vm1, vm6  }
0xc1: {  	[tilespmem:v3+s9+$0x0] =	vst.idx.add.f32.msk vm7, v2;
	vm7 =	vcmask $0x2F2C  }
0xc2: {  	vm7 =	vmand vm1, vm7  }
0xc3: {  	[tilespmem:v3+s9+$0x0] =	vst.idx.add.f32.msk vm2, v2;
	vm2 =	vcmask $0x3330  }
0xc4: {  	vm2 =	vmand vm1, vm2  }
0xc5: {  	[tilespmem:v3+s9+$0x0] =	vst.idx.add.f32.msk vm3, v2;
	vm3 =	vmand vm1, vm14  }
0xc6: {  	[tilespmem:v3+s9+$0x0] =	vst.idx.add.f32.msk vm4, v2;
	vm4 =	vmand vm1, vm15  }
0xc7: {  	vm1 =	vmand vm1, vm13;
	[tilespmem:v3+s9+$0x0] =	vst.idx.add.f32.msk vm5, v2  }
.Ltmp2:
0xc8: {  	[tilespmem:v3+s9+$0x0] =	vst.idx.add.f32.msk vm6, v2;
	(pc) =	sbr.rel @p0 .LBB2_7-.Ltmp2, $4  }
0xc9: {  	[tilespmem:v3+s9+$0x0] =	vst.idx.add.f32.msk vm7, v2  }
0xca: {  	[tilespmem:v3+s9+$0x0] =	vst.idx.add.f32.msk vm2, v2  }
0xcb: {  	[tilespmem:v3+s9+$0x0] =	vst.idx.add.f32.msk vm3, v2  }
0xcc: {  	[tilespmem:v3+s9+$0x0] =	vst.idx.add.f32.msk vm4, v2  }
0xcd: {  	_ =	sdelay $0x4  }
0xce: {  	s15 =	sshra.s32 s15, $0x2;
	[tilespmem:v3+s9+$0x0] =	vst.idx.add.f32.msk vm1, v2  }
0xcf: {  	v3 =	vld [tilespmem:s15+$0x800];
	_ =	sdelay $0x4  }
0xd0: {  	v4 =	vld [tilespmem:s15+$0x0];
	v3 =	vsub.s32 v3, v1  }
0xd1: {  	vm1 =	vgt.s32 v3, $0x0  }
0xd2: {  	v5 =	vnsel vm1, $0x0, v3  }
0xd3: {  	vm1 =	vlt.u32 v3, $0x20;
	v3 =	vmin.u32 v5, $0x1F  }
0xd4: {  	vm2 =	vmand vm1, vm0;
	v3 =	vshll.u32 v3, $0xB  }
0xd5: {  	v3 =	vadd.s32 v4, v3  }
0xd6: {  	vm3 =	vmand vm1, vm8  }
0xd7: {  	vm4 =	vmand vm1, vm9  }
0xd8: {  	vm5 =	vmand vm1, vm10  }
0xd9: {  	vm6 =	vmand vm1, vm11  }
0xda: {  	vm7 =	vmand vm1, vm12;
	[tilespmem:v3+s9+$0x0] =	vst.idx.add.f32.msk vm2, v2;
	vm2 =	vcmask $0x1B18  }
0xdb: {  	vm2 =	vmand vm1, vm2  }
0xdc: {  	[tilespmem:v3+s9+$0x0] =	vst.idx.add.f32.msk vm3, v2;
	vm3 =	vcmask $0x1F1C  }
0xdd: {  	vm3 =	vmand vm1, vm3;
	[tilespmem:v3+s9+$0x0] =	vst.idx.add.f32.msk vm4, v2;
	vm4 =	vcmask $0x2320  }
0xde: {  	vm4 =	vmand vm1, vm4;
	[tilespmem:v3+s9+$0x0] =	vst.idx.add.f32.msk vm5, v2;
	vm5 =	vcmask $0x2724  }
0xdf: {  	vm5 =	vmand vm1, vm5;
	[tilespmem:v3+s9+$0x0] =	vst.idx.add.f32.msk vm6, v2;
	vm6 =	vcmask $0x2B28  }
0xe0: {  	vm6 =	vmand vm1, vm6;
	[tilespmem:v3+s9+$0x0] =	vst.idx.add.f32.msk vm7, v2;
	vm7 =	vcmask $0x2F2C  }
0xe1: {  	vm7 =	vmand vm1, vm7;
	[tilespmem:v3+s9+$0x0] =	vst.idx.add.f32.msk vm2, v2;
	vm2 =	vcmask $0x3330  }
0xe2: {  	vm2 =	vmand vm1, vm2  }
0xe3: {  	[tilespmem:v3+s9+$0x0] =	vst.idx.add.f32.msk vm3, v2;
	vm3 =	vmand vm1, vm14  }
0xe4: {  	[tilespmem:v3+s9+$0x0] =	vst.idx.add.f32.msk vm4, v2;
	vm4 =	vmand vm1, vm15  }
0xe5: {  	s14 =	sadd.s32 $0x1, s14;
	vm1 =	vmand vm1, vm13;
	[tilespmem:v3+s9+$0x0] =	vst.idx.add.f32.msk vm5, v2  }
0xe6: {  	p0 =	sne.s32 s14, $0x10;
	[tilespmem:v3+s9+$0x0] =	vst.idx.add.f32.msk vm6, v2  }
.Ltmp3:
0xe7: {  	[tilespmem:v3+s9+$0x0] =	vst.idx.add.f32.msk vm7, v2;
	(pc) =	sbr.rel @p0 .LBB2_6-.Ltmp3, $4  }
0xe8: {  	[tilespmem:v3+s9+$0x0] =	vst.idx.add.f32.msk vm2, v2  }
0xe9: {  	[tilespmem:v3+s9+$0x0] =	vst.idx.add.f32.msk vm3, v2  }
0xea: {  	vm5 =	vmmov vm10;
	vm6 =	vmmov vm11;
	[tilespmem:v3+s9+$0x0] =	vst.idx.add.f32.msk vm4, v2  }
0xeb: {  	vm7 =	vmmov vm12;
	vm3 =	vmmov vm8;
	vm4 =	vmmov vm9;
	[tilespmem:v3+s9+$0x0] =	vst.idx.add.f32.msk vm1, v2  }
0xec: {  	s12 =	sadd.s32 $0x1, s12  }
0xed: {  	p0 =	sne.s32 s12, s8  }
.Ltmp4:
0xee: {  	_ = 	snop;
	(pc) =	sbr.rel @p0 .LBB2_1-.Ltmp4, $4  }
0xef: {  	[hbm4b:s7+s5] =	stream.linear.scatter [tilespmem:s9], [sflag:$0x1], $0x10000, $0x38;
	[tilespmem:$0x11000] =	vst v63  }
0xf0: {  	_ =	swait.ge [sflag:s10], $0x10000  }
0xf1: {  	[sflag:s10] =	ssyncset.done $0x0  }
0xf2: {  	vm2 =	vmmov vm13;
	[sflag:s10] =	ssyncadd.s32 $0xFFFF0000  }
0xf3: {  	_ =	sfence.sel $0x180000  }
0xf4: {  	[bflag:$0x0] =	sbarrier.arrive $0xFFFF  }
0xf5: {  	p0 =	sne.s32 s0, $0x0;
	_ =	strace $0x90000047  }
0xf6: {  	s0 =	sadd.s32 @!p0 $0x100000, s3;
	[bflag:$0x2] =	sbarrier.arrive $0xFFFF  }
0xf7: {  	[sflag:s0] =	ssyncadd.tile.s32 @!p0 $0x1;
	_ =	shalt  }
.Lfunc_end2:
_tile_overlayer_lowered:
.L_overlay_start_2:
0xf8: {  	(tag) =	ssettag $0x2  }
0xf9: {  	s0 =	rddreg [dreg:$0x0];
	s2 =	stileid.u32  }
0xfa: {  	s1 =	rddreg [dreg:$0x1];
	p0 =	sne.s32 s2, $0x0  }
0xfb: {  	s3 =	rddreg [dreg:$0x2];
	[bflag:$0x3] =	sbarrier.arrive $0xFFFF;
	s2 =	simm.s32 @!p0 $0x1C01  }
0xfc: {  	[timem:s3], [sflag:s2] =	dma.local @!p0 [hbm:s0], s1  }
0xfd: {  	s0 =	simm.s32 @!p0 $0x1  }
0xfe: {  	_ =	swait.ge @!p0 [sflag:s0], s1  }
0xff: {  	s1 =	ssub.s32 @!p0 $0x0, s1;
	[sflag:s0] =	ssyncset.done @!p0 $0x0  }
0x100: {  	[sflag:s0] =	ssyncadd.s32 @!p0 s1  }
0x101: {  	[bflag:$0x3] =	sbarrier.arrive $0xFFFF  }
0x102: {  	_ =	shalt  }

</sc_bundles>
